<compile_context>
chip_gen: v7x
topology: tpu7x:2x2x1
jax: 0.10.2.dev20260603
libtpu: 0.0.44.dev20260713+nightly
codegen_flags: <defaults>
</compile_context>

<pallas_src>
import functools

import jax
import jax.numpy as jnp
from jax import lax
from jax.experimental import pallas as pl
from jax.experimental.pallas import tpu as pltpu
from jax.experimental.pallas import tpu_sc as plsc

N_ROWS = 320000
D_FEAT = 128
NUM_SEGMENTS = 10000

NC = 2
NS = 16
NW = NC * NS
ROWS_PER_W = N_ROWS // NW
BLK = 40
NFULL = ROWS_PER_W // BLK
NBUF = 5
ZROWS = 16
WSTRIPE = 640
WLAST = NUM_SEGMENTS - (NS - 1) * WSTRIPE
OCHUNK = 80
NOCHUNK = NUM_SEGMENTS // OCHUNK
OITER = -(-NOCHUNK // NS)


def _sc_partial_sums(X, keys):
    mesh = plsc.VectorSubcoreMesh(core_axis_name="c", subcore_axis_name="s")

    @functools.partial(
        pl.kernel,
        out_type=jax.ShapeDtypeStruct((NC, NUM_SEGMENTS, D_FEAT), jnp.float32),
        mesh=mesh,
        scratch_types=[
            pltpu.VMEM((BLK, D_FEAT), jnp.float32),
            pltpu.VMEM((BLK, D_FEAT), jnp.float32),
            pltpu.VMEM((BLK, D_FEAT), jnp.float32),
            pltpu.VMEM((BLK, D_FEAT), jnp.float32),
            pltpu.VMEM((BLK, D_FEAT), jnp.float32),
            pltpu.VMEM((BLK,), jnp.int32),
            pltpu.VMEM((BLK,), jnp.int32),
            pltpu.VMEM((BLK,), jnp.int32),
            pltpu.VMEM((BLK,), jnp.int32),
            pltpu.VMEM((BLK,), jnp.int32),
            pltpu.VMEM((ZROWS, D_FEAT), jnp.float32),
            pltpu.VMEM_SHARED((NUM_SEGMENTS, D_FEAT), jnp.float32),
            pltpu.SemaphoreType.DMA,
            pltpu.SemaphoreType.DMA,
            pltpu.SemaphoreType.DMA,
            pltpu.SemaphoreType.DMA,
            pltpu.SemaphoreType.DMA,
            pltpu.SemaphoreType.DMA,
        ],
    )
    def k(x_hbm, keys_hbm, out_hbm, xbuf_a, xbuf_b, xbuf_c, xbuf_d, xbuf_e,
          kbuf_a, kbuf_b, kbuf_c, kbuf_d, kbuf_e,
          zbuf, acc, sem_a, sem_b, sem_c, sem_d, sem_e, sem_z):
        c = lax.axis_index("c")
        s = lax.axis_index("s")
        wid = c * NS + s

        base = wid * ROWS_PER_W

        def kslc(i):
            return keys_hbm.at[pl.ds(base + i * BLK, BLK)]

        def xslc(i):
            return x_hbm.at[pl.ds(base + i * BLK, BLK)]

        def start_load(i, xbuf, kbuf, sem):
            pltpu.async_copy(xslc(i), xbuf, sem)
            pltpu.async_copy(kslc(i), kbuf, sem)

        def wait_load(i, xbuf, kbuf, sem):
            pltpu.make_async_copy(xslc(i), xbuf, sem).wait()
            pltpu.make_async_copy(kslc(i), kbuf, sem).wait()

        bufs = ((xbuf_a, kbuf_a, sem_a), (xbuf_b, kbuf_b, sem_b),
                (xbuf_c, kbuf_c, sem_c), (xbuf_d, kbuf_d, sem_d),
                (xbuf_e, kbuf_e, sem_e))

        def refill(i, xbuf, kbuf, sem):
            @pl.when(i + NBUF < NFULL)
            def _():
                start_load(i + NBUF, xbuf, kbuf, sem)

        for b in range(NBUF):
            start_load(b, *bufs[b])

        @pl.loop(0, ZROWS)
        def _(r):
            @pl.loop(0, D_FEAT, step=16)
            def _(col):
                zbuf[r, pl.ds(col, 16)] = jnp.zeros((16,), jnp.float32)

        def each_zero_chunk(fn):
            @pl.loop(0, OITER)
            def _(j):
                chunk = s + NS * j

                @pl.when(chunk < NOCHUNK)
                def _():
                    @pl.loop(0, OCHUNK // ZROWS)
                    def _(j2):
                        fn(pl.ds(chunk * OCHUNK + j2 * ZROWS, ZROWS))

        each_zero_chunk(
            lambda d: pltpu.async_copy(zbuf, acc.at[d], sem_z))
        each_zero_chunk(
            lambda d: pltpu.make_async_copy(zbuf, acc.at[d], sem_z).wait())

        plsc.subcore_barrier()

        @pl.loop(0, NFULL // NBUF)
        def _(g):
            for b in range(NBUF):
                i = NBUF * g + b
                wait_load(i, *bufs[b])
                pltpu.sync_copy(bufs[b][0], acc.at[bufs[b][1]], add=True)
                refill(i, *bufs[b])

        plsc.subcore_barrier()

        @pl.when(s < NS - 1)
        def _():
            pltpu.sync_copy(
                acc.at[pl.ds(s * WSTRIPE, WSTRIPE)],
                out_hbm.at[c, pl.ds(s * WSTRIPE, WSTRIPE)],
            )

        @pl.when(s == NS - 1)
        def _():
            pltpu.sync_copy(
                acc.at[pl.ds((NS - 1) * WSTRIPE, WLAST)],
                out_hbm.at[c, pl.ds((NS - 1) * WSTRIPE, WLAST)],
            )

    return k(X, keys)


def _tc_combine(acc):
    def body(a_ref, b_ref, o_ref):
        o_ref[...] = a_ref[0] + b_ref[0]

    return pl.pallas_call(
        body,
        grid=(10,),
        in_specs=[
            pl.BlockSpec((1, 1000, D_FEAT), lambda i: (0, i, 0)),
            pl.BlockSpec((1, 1000, D_FEAT), lambda i: (1, i, 0)),
        ],
        out_specs=pl.BlockSpec((1000, D_FEAT), lambda i: (i, 0)),
        out_shape=jax.ShapeDtypeStruct((NUM_SEGMENTS, D_FEAT), jnp.float32),
    )(acc, acc)


@jax.jit
def kernel(X, keys):
    keys = keys.astype(jnp.int32)
    acc = _sc_partial_sums(X, keys)
    return _tc_combine(acc)

# --- scband reference (transcript-rebuilt; emitter-appended) ---
"""Pipeline reference for scband-model-24850680774687 (READ-ONLY COPY).

The authoritative reference and input builder live on the scoring server;
editing this copy changes nothing except your own understanding.
"""

import jax, jax.numpy as jnp
import numpy as np

N_ROWS = 320000
D_FEAT = 128
NUM_SEGMENTS = 10000


def setup_inputs(seed: int = 0) -> dict:
    key = jax.random.key(seed)
    kx, kk = jax.random.split(key)
    X = jax.random.normal(kx, (N_ROWS, D_FEAT), dtype=jnp.float32)
    keys = jnp.sort(jax.random.randint(kk, (N_ROWS,), 0, NUM_SEGMENTS, dtype=jnp.int64))
    return {"X": X, "keys": keys}


def reference(X, keys):
    # Faithful translation of torch.ops.reduce_cpp.reduce(X, keys, 1):
    # a key-based segment reduction (sum) over the rows of X, where `keys`
    # assigns each row of X to an output segment. Output row s is the sum of
    # all rows of X whose key == s.
    out = jax.ops.segment_sum(X, keys, num_segments=NUM_SEGMENTS)
    return out

if __name__ == "__main__":
    import jax
    _d = setup_inputs()
    print(jax.jit(kernel)(*tuple(_d.values())))

</pallas_src>

<mosaic_0001>
#map = affine_map<(d0, d1) -> (0, 0)>
#map1 = affine_map<(d0, d1) -> (0)>
#map2 = affine_map<(d0, d1) -> (0, 0, 0)>
module attributes {stable_mosaic.version = 14 : i64} {
  func.func @k(%arg0: i32, %arg1: i32, %arg2: memref<320000x128xf32, #tpu.memory_space<hbm>>, %arg3: memref<320000xi32, #tpu.memory_space<hbm>>, %arg4: memref<2x10000x128xf32, #tpu.memory_space<hbm>>, %arg5: memref<40x128xf32, #tpu.memory_space<vmem>>, %arg6: memref<40x128xf32, #tpu.memory_space<vmem>>, %arg7: memref<40x128xf32, #tpu.memory_space<vmem>>, %arg8: memref<40x128xf32, #tpu.memory_space<vmem>>, %arg9: memref<40x128xf32, #tpu.memory_space<vmem>>, %arg10: memref<40xi32, #tpu.memory_space<vmem>>, %arg11: memref<40xi32, #tpu.memory_space<vmem>>, %arg12: memref<40xi32, #tpu.memory_space<vmem>>, %arg13: memref<40xi32, #tpu.memory_space<vmem>>, %arg14: memref<40xi32, #tpu.memory_space<vmem>>, %arg15: memref<16x128xf32, #tpu.memory_space<vmem>>, %arg16: memref<10000x128xf32, #tpu.memory_space<vmem_shared>>, %arg17: memref<!tpu.dma_semaphore, #tpu.memory_space<semaphore_mem>>, %arg18: memref<!tpu.dma_semaphore, #tpu.memory_space<semaphore_mem>>, %arg19: memref<!tpu.dma_semaphore, #tpu.memory_space<semaphore_mem>>, %arg20: memref<!tpu.dma_semaphore, #tpu.memory_space<semaphore_mem>>, %arg21: memref<!tpu.dma_semaphore, #tpu.memory_space<semaphore_mem>>, %arg22: memref<!tpu.dma_semaphore, #tpu.memory_space<semaphore_mem>>) attributes {dimension_semantics = [#tpu.dimension_semantics<core_parallel>, #tpu.dimension_semantics<subcore_parallel>], iteration_bounds = array<i64: 2, 16>, scalar_prefetch = 0 : i64, scratch_operands = 18 : i64, tpu.core_type = #tpu.core_type<sc_vector_subcore>, window_params = [{transform_indices = #map}, {transform_indices = #map1}, {transform_indices = #map2}]} {
    %mul3A = arith.constant 16 : i32
    %mul3A_0 = arith.muli %arg0, %mul3A : i32
    %add3A = arith.addi %mul3A_0, %arg1 : i32
    %mul3A_1 = arith.constant 10000 : i32
    %mul3A_2 = arith.muli %add3A, %mul3A_1 : i32
    %add3A_3 = arith.constant 0 : i32
    %add3A_4 = arith.addi %mul3A_2, %add3A_3 : i32
    %dma_start3A = arith.constant 0 : i32
    %dma_start3A_5 = tpu.memref_slice %arg2[%add3A_4, %dma_start3A] : memref<320000x128xf32, #tpu.memory_space<hbm>> -> memref<40x128xf32, #tpu.memory_space<hbm>>
    %dma_start3A_6 = arith.constant 0 : i32
    %dma_start3A_7 = tpu.memref_slice %arg2[%add3A_4, %dma_start3A_6] : memref<320000x128xf32, #tpu.memory_space<hbm>> -> memref<40x128xf32, #tpu.memory_space<hbm>>
    tpu.enqueue_dma source(%dma_start3A_7 : memref<40x128xf32, #tpu.memory_space<hbm>>) target(%arg5 : memref<40x128xf32, #tpu.memory_space<vmem>>) target_semaphore(%arg17 : memref<!tpu.dma_semaphore, #tpu.memory_space<semaphore_mem>>)
    %add3A_8 = arith.constant 0 : i32
    %add3A_9 = arith.addi %mul3A_2, %add3A_8 : i32
    %dma_start3A_10 = tpu.memref_slice %arg3[%add3A_9] : memref<320000xi32, #tpu.memory_space<hbm>> -> memref<40xi32, #tpu.memory_space<hbm>>
    %dma_start3A_11 = tpu.memref_slice %arg3[%add3A_9] : memref<320000xi32, #tpu.memory_space<hbm>> -> memref<40xi32, #tpu.memory_space<hbm>>
    tpu.enqueue_dma source(%dma_start3A_11 : memref<40xi32, #tpu.memory_space<hbm>>) target(%arg10 : memref<40xi32, #tpu.memory_space<vmem>>) target_semaphore(%arg17 : memref<!tpu.dma_semaphore, #tpu.memory_space<semaphore_mem>>)
    %add3A_12 = arith.constant 40 : i32
    %add3A_13 = arith.addi %mul3A_2, %add3A_12 : i32
    %dma_start3A_14 = arith.constant 0 : i32
    %dma_start3A_15 = tpu.memref_slice %arg2[%add3A_13, %dma_start3A_14] : memref<320000x128xf32, #tpu.memory_space<hbm>> -> memref<40x128xf32, #tpu.memory_space<hbm>>
    %dma_start3A_16 = arith.constant 0 : i32
    %dma_start3A_17 = tpu.memref_slice %arg2[%add3A_13, %dma_start3A_16] : memref<320000x128xf32, #tpu.memory_space<hbm>> -> memref<40x128xf32, #tpu.memory_space<hbm>>
    tpu.enqueue_dma source(%dma_start3A_17 : memref<40x128xf32, #tpu.memory_space<hbm>>) target(%arg6 : memref<40x128xf32, #tpu.memory_space<vmem>>) target_semaphore(%arg18 : memref<!tpu.dma_semaphore, #tpu.memory_space<semaphore_mem>>)
    %add3A_18 = arith.constant 40 : i32
    %add3A_19 = arith.addi %mul3A_2, %add3A_18 : i32
    %dma_start3A_20 = tpu.memref_slice %arg3[%add3A_19] : memref<320000xi32, #tpu.memory_space<hbm>> -> memref<40xi32, #tpu.memory_space<hbm>>
    %dma_start3A_21 = tpu.memref_slice %arg3[%add3A_19] : memref<320000xi32, #tpu.memory_space<hbm>> -> memref<40xi32, #tpu.memory_space<hbm>>
    tpu.enqueue_dma source(%dma_start3A_21 : memref<40xi32, #tpu.memory_space<hbm>>) target(%arg11 : memref<40xi32, #tpu.memory_space<vmem>>) target_semaphore(%arg18 : memref<!tpu.dma_semaphore, #tpu.memory_space<semaphore_mem>>)
    %add3A_22 = arith.constant 80 : i32
    %add3A_23 = arith.addi %mul3A_2, %add3A_22 : i32
    %dma_start3A_24 = arith.constant 0 : i32
    %dma_start3A_25 = tpu.memref_slice %arg2[%add3A_23, %dma_start3A_24] : memref<320000x128xf32, #tpu.memory_space<hbm>> -> memref<40x128xf32, #tpu.memory_space<hbm>>
    %dma_start3A_26 = arith.constant 0 : i32
    %dma_start3A_27 = tpu.memref_slice %arg2[%add3A_23, %dma_start3A_26] : memref<320000x128xf32, #tpu.memory_space<hbm>> -> memref<40x128xf32, #tpu.memory_space<hbm>>
    tpu.enqueue_dma source(%dma_start3A_27 : memref<40x128xf32, #tpu.memory_space<hbm>>) target(%arg7 : memref<40x128xf32, #tpu.memory_space<vmem>>) target_semaphore(%arg19 : memref<!tpu.dma_semaphore, #tpu.memory_space<semaphore_mem>>)
    %add3A_28 = arith.constant 80 : i32
    %add3A_29 = arith.addi %mul3A_2, %add3A_28 : i32
    %dma_start3A_30 = tpu.memref_slice %arg3[%add3A_29] : memref<320000xi32, #tpu.memory_space<hbm>> -> memref<40xi32, #tpu.memory_space<hbm>>
    %dma_start3A_31 = tpu.memref_slice %arg3[%add3A_29] : memref<320000xi32, #tpu.memory_space<hbm>> -> memref<40xi32, #tpu.memory_space<hbm>>
    tpu.enqueue_dma source(%dma_start3A_31 : memref<40xi32, #tpu.memory_space<hbm>>) target(%arg12 : memref<40xi32, #tpu.memory_space<vmem>>) target_semaphore(%arg19 : memref<!tpu.dma_semaphore, #tpu.memory_space<semaphore_mem>>)
    %add3A_32 = arith.constant 120 : i32
    %add3A_33 = arith.addi %mul3A_2, %add3A_32 : i32
    %dma_start3A_34 = arith.constant 0 : i32
    %dma_start3A_35 = tpu.memref_slice %arg2[%add3A_33, %dma_start3A_34] : memref<320000x128xf32, #tpu.memory_space<hbm>> -> memref<40x128xf32, #tpu.memory_space<hbm>>
    %dma_start3A_36 = arith.constant 0 : i32
    %dma_start3A_37 = tpu.memref_slice %arg2[%add3A_33, %dma_start3A_36] : memref<320000x128xf32, #tpu.memory_space<hbm>> -> memref<40x128xf32, #tpu.memory_space<hbm>>
    tpu.enqueue_dma source(%dma_start3A_37 : memref<40x128xf32, #tpu.memory_space<hbm>>) target(%arg8 : memref<40x128xf32, #tpu.memory_space<vmem>>) target_semaphore(%arg20 : memref<!tpu.dma_semaphore, #tpu.memory_space<semaphore_mem>>)
    %add3A_38 = arith.constant 120 : i32
    %add3A_39 = arith.addi %mul3A_2, %add3A_38 : i32
    %dma_start3A_40 = tpu.memref_slice %arg3[%add3A_39] : memref<320000xi32, #tpu.memory_space<hbm>> -> memref<40xi32, #tpu.memory_space<hbm>>
    %dma_start3A_41 = tpu.memref_slice %arg3[%add3A_39] : memref<320000xi32, #tpu.memory_space<hbm>> -> memref<40xi32, #tpu.memory_space<hbm>>
    tpu.enqueue_dma source(%dma_start3A_41 : memref<40xi32, #tpu.memory_space<hbm>>) target(%arg13 : memref<40xi32, #tpu.memory_space<vmem>>) target_semaphore(%arg20 : memref<!tpu.dma_semaphore, #tpu.memory_space<semaphore_mem>>)
    %add3A_42 = arith.constant 160 : i32
    %add3A_43 = arith.addi %mul3A_2, %add3A_42 : i32
    %dma_start3A_44 = arith.constant 0 : i32
    %dma_start3A_45 = tpu.memref_slice %arg2[%add3A_43, %dma_start3A_44] : memref<320000x128xf32, #tpu.memory_space<hbm>> -> memref<40x128xf32, #tpu.memory_space<hbm>>
    %dma_start3A_46 = arith.constant 0 : i32
    %dma_start3A_47 = tpu.memref_slice %arg2[%add3A_43, %dma_start3A_46] : memref<320000x128xf32, #tpu.memory_space<hbm>> -> memref<40x128xf32, #tpu.memory_space<hbm>>
    tpu.enqueue_dma source(%dma_start3A_47 : memref<40x128xf32, #tpu.memory_space<hbm>>) target(%arg9 : memref<40x128xf32, #tpu.memory_space<vmem>>) target_semaphore(%arg21 : memref<!tpu.dma_semaphore, #tpu.memory_space<semaphore_mem>>)
    %add3A_48 = arith.constant 160 : i32
    %add3A_49 = arith.addi %mul3A_2, %add3A_48 : i32
    %dma_start3A_50 = tpu.memref_slice %arg3[%add3A_49] : memref<320000xi32, #tpu.memory_space<hbm>> -> memref<40xi32, #tpu.memory_space<hbm>>
    %dma_start3A_51 = tpu.memref_slice %arg3[%add3A_49] : memref<320000xi32, #tpu.memory_space<hbm>> -> memref<40xi32, #tpu.memory_space<hbm>>
    tpu.enqueue_dma source(%dma_start3A_51 : memref<40xi32, #tpu.memory_space<hbm>>) target(%arg14 : memref<40xi32, #tpu.memory_space<vmem>>) target_semaphore(%arg21 : memref<!tpu.dma_semaphore, #tpu.memory_space<semaphore_mem>>)
    %scan3A = arith.constant 0 : i32
    %scan3A_52 = arith.constant 16 : i32
    %scan3A_53 = arith.addi %scan3A, %scan3A_52 : i32
    %scan3A_54 = arith.constant 1 : i32
    scf.for %scan3A_78 = %scan3A to %scan3A_53 step %scan3A_54  : i32 {
      %mul3A_79 = arith.constant 1 : i32
      %mul3A_80 = arith.muli %scan3A_78, %mul3A_79 : i32
      %add3A_81 = arith.constant 0 : i32
      %add3A_82 = arith.addi %add3A_81, %mul3A_80 : i32
      %scan3A_83 = arith.constant 0 : i32
      %scan3A_84 = arith.constant 8 : i32
      %scan3A_85 = arith.addi %scan3A_83, %scan3A_84 : i32
      %scan3A_86 = arith.constant 1 : i32
      scf.for %scan3A_88 = %scan3A_83 to %scan3A_85 step %scan3A_86  : i32 {
        %mul3A_89 = arith.constant 16 : i32
        %mul3A_90 = arith.muli %scan3A_88, %mul3A_89 : i32
        %add3A_91 = arith.constant 0 : i32
        %add3A_92 = arith.addi %add3A_91, %mul3A_90 : i32
        %broadcast_in_dim3A = arith.constant 0.000000e+00 : f32
        %broadcast_in_dim3A_93 = vector.broadcast %broadcast_in_dim3A : f32 to vector<16xf32>
        %swap3A = arith.index_cast %add3A_82 : i32 to index
        %swap3A_94 = arith.index_cast %add3A_92 : i32 to index
        %swap3A_95 = tpu.vector_load %arg15[%swap3A, %swap3A_94] {strides = array<i32>} : memref<16x128xf32, #tpu.memory_space<vmem>>, vector<1x16xf32>,
        %swap3A_96 = vector.shape_cast %swap3A_95 : vector<1x16xf32> to vector<16xf32>
        %swap3A_97 = vector.shape_cast %broadcast_in_dim3A_93 : vector<16xf32> to vector<1x16xf32>
        tpu.vector_store %arg15[%swap3A, %swap3A_94], %swap3A_97 {strides = array<i32>} : memref<16x128xf32, #tpu.memory_space<vmem>>, vector<1x16xf32>,
      }
      %scan3A_87 = arith.constant 8 : i32
    }
    %scan3A_55 = arith.constant 16 : i32
    %scan3A_56 = arith.constant 0 : i32
    %scan3A_57 = arith.constant 8 : i32
    %scan3A_58 = arith.addi %scan3A_56, %scan3A_57 : i32
    %scan3A_59 = arith.constant 1 : i32
    scf.for %scan3A_78 = %scan3A_56 to %scan3A_58 step %scan3A_59  : i32 {
      %mul3A_79 = arith.constant 1 : i32
      %mul3A_80 = arith.muli %scan3A_78, %mul3A_79 : i32
      %add3A_81 = arith.constant 0 : i32
      %add3A_82 = arith.addi %add3A_81, %mul3A_80 : i32
      %mul3A_83 = arith.constant 16 : i32
      %mul3A_84 = arith.muli %mul3A_83, %add3A_82 : i32
      %add3A_85 = arith.addi %arg1, %mul3A_84 : i32
      %lt3A_86 = arith.constant 125 : i32
      %lt3A_87 = arith.cmpi slt, %add3A_85, %lt3A_86 : i32
      %convert_element_type3A_88 = arith.extui %lt3A_87 : i1 to i32
      %cond3A_89 = arith.constant 0 : i32
      %cond3A_90 = arith.cmpi ne, %convert_element_type3A_88, %cond3A_89 : i32
      scf.if %cond3A_90 {
        %scan3A_91 = arith.constant 0 : i32
        %scan3A_92 = arith.constant 5 : i32
        %scan3A_93 = arith.addi %scan3A_91, %scan3A_92 : i32
        %scan3A_94 = arith.constant 1 : i32
        scf.for %scan3A_96 = %scan3A_91 to %scan3A_93 step %scan3A_94  : i32 {
          %mul3A_97 = arith.constant 1 : i32
          %mul3A_98 = arith.muli %scan3A_96, %mul3A_97 : i32
          %add3A_99 = arith.constant 0 : i32
          %add3A_100 = arith.addi %add3A_99, %mul3A_98 : i32
          %mul3A_101 = arith.constant 80 : i32
          %mul3A_102 = arith.muli %add3A_85, %mul3A_101 : i32
          %mul3A_103 = arith.constant 16 : i32
          %mul3A_104 = arith.muli %add3A_100, %mul3A_103 : i32
          %add3A_105 = arith.addi %mul3A_102, %mul3A_104 : i32
          %dma_start3A_106 = arith.constant 0 : i32
          %dma_start3A_107 = tpu.memref_slice %arg16[%add3A_105, %dma_start3A_106] : memref<10000x128xf32, #tpu.memory_space<vmem_shared>> -> memref<16x128xf32, #tpu.memory_space<vmem_shared>>
          %dma_start3A_108 = arith.constant 0 : i32
          %dma_start3A_109 = tpu.memref_slice %arg16[%add3A_105, %dma_start3A_108] : memref<10000x128xf32, #tpu.memory_space<vmem_shared>> -> memref<16x128xf32, #tpu.memory_space<vmem_shared>>
          tpu.enqueue_dma source(%arg15 : memref<16x128xf32, #tpu.memory_space<vmem>>) target(%dma_start3A_109 : memref<16x128xf32, #tpu.memory_space<vmem_shared>>) target_semaphore(%arg22 : memref<!tpu.dma_semaphore, #tpu.memory_space<semaphore_mem>>)
        }
        %scan3A_95 = arith.constant 5 : i32
      } else {
      }
    }
    %scan3A_60 = arith.constant 8 : i32
    %scan3A_61 = arith.constant 0 : i32
    %scan3A_62 = arith.constant 8 : i32
    %scan3A_63 = arith.addi %scan3A_61, %scan3A_62 : i32
    %scan3A_64 = arith.constant 1 : i32
    scf.for %scan3A_78 = %scan3A_61 to %scan3A_63 step %scan3A_64  : i32 {
      %mul3A_79 = arith.constant 1 : i32
      %mul3A_80 = arith.muli %scan3A_78, %mul3A_79 : i32
      %add3A_81 = arith.constant 0 : i32
      %add3A_82 = arith.addi %add3A_81, %mul3A_80 : i32
      %mul3A_83 = arith.constant 16 : i32
      %mul3A_84 = arith.muli %mul3A_83, %add3A_82 : i32
      %add3A_85 = arith.addi %arg1, %mul3A_84 : i32
      %lt3A_86 = arith.constant 125 : i32
      %lt3A_87 = arith.cmpi slt, %add3A_85, %lt3A_86 : i32
      %convert_element_type3A_88 = arith.extui %lt3A_87 : i1 to i32
      %cond3A_89 = arith.constant 0 : i32
      %cond3A_90 = arith.cmpi ne, %convert_element_type3A_88, %cond3A_89 : i32
      scf.if %cond3A_90 {
        %scan3A_91 = arith.constant 0 : i32
        %scan3A_92 = arith.constant 5 : i32
        %scan3A_93 = arith.addi %scan3A_91, %scan3A_92 : i32
        %scan3A_94 = arith.constant 1 : i32
        scf.for %scan3A_96 = %scan3A_91 to %scan3A_93 step %scan3A_94  : i32 {
          %mul3A_97 = arith.constant 1 : i32
          %mul3A_98 = arith.muli %scan3A_96, %mul3A_97 : i32
          %add3A_99 = arith.constant 0 : i32
          %add3A_100 = arith.addi %add3A_99, %mul3A_98 : i32
          %mul3A_101 = arith.constant 80 : i32
          %mul3A_102 = arith.muli %add3A_85, %mul3A_101 : i32
          %mul3A_103 = arith.constant 16 : i32
          %mul3A_104 = arith.muli %add3A_100, %mul3A_103 : i32
          %add3A_105 = arith.addi %mul3A_102, %mul3A_104 : i32
          %dma_wait3A = arith.constant 0 : i32
          %dma_wait3A_106 = tpu.memref_slice %arg16[%add3A_105, %dma_wait3A] : memref<10000x128xf32, #tpu.memory_space<vmem_shared>> -> memref<16x128xf32, #tpu.memory_space<vmem_shared>>
          %dma_wait3A_107 = arith.constant 0 : i32
          %dma_wait3A_108 = tpu.memref_slice %arg16[%add3A_105, %dma_wait3A_107] : memref<10000x128xf32, #tpu.memory_space<vmem_shared>> -> memref<16x128xf32, #tpu.memory_space<vmem_shared>>
          tpu.wait_dma2 semaphore(%arg22 : memref<!tpu.dma_semaphore, #tpu.memory_space<semaphore_mem>>) src(%arg15 : memref<16x128xf32, #tpu.memory_space<vmem>>) dst(%dma_wait3A_108 : memref<16x128xf32, #tpu.memory_space<vmem_shared>>)
        }
        %scan3A_95 = arith.constant 5 : i32
      } else {
      }
    }
    %scan3A_65 = arith.constant 8 : i32
    %barrier3A = arith.constant 0 : index
    tpu.barrier barrier_id(%barrier3A)
    %scan3A_66 = arith.constant 0 : i32
    %scan3A_67 = arith.constant 50 : i32
    %scan3A_68 = arith.addi %scan3A_66, %scan3A_67 : i32
    %scan3A_69 = arith.constant 1 : i32
    scf.for %scan3A_78 = %scan3A_66 to %scan3A_68 step %scan3A_69  : i32 {
      %mul3A_79 = arith.constant 1 : i32
      %mul3A_80 = arith.muli %scan3A_78, %mul3A_79 : i32
      %add3A_81 = arith.constant 0 : i32
      %add3A_82 = arith.addi %add3A_81, %mul3A_80 : i32
      %mul3A_83 = arith.constant 5 : i32
      %mul3A_84 = arith.muli %mul3A_83, %add3A_82 : i32
      %add3A_85 = arith.constant 0 : i32
      %add3A_86 = arith.addi %mul3A_84, %add3A_85 : i32
      %mul3A_87 = arith.constant 40 : i32
      %mul3A_88 = arith.muli %add3A_86, %mul3A_87 : i32
      %add3A_89 = arith.addi %mul3A_2, %mul3A_88 : i32
      %dma_wait3A = arith.constant 0 : i32
      %dma_wait3A_90 = tpu.memref_slice %arg2[%add3A_89, %dma_wait3A] : memref<320000x128xf32, #tpu.memory_space<hbm>> -> memref<40x128xf32, #tpu.memory_space<hbm>>
      %dma_wait3A_91 = arith.constant 0 : i32
      %dma_wait3A_92 = tpu.memref_slice %arg2[%add3A_89, %dma_wait3A_91] : memref<320000x128xf32, #tpu.memory_space<hbm>> -> memref<40x128xf32, #tpu.memory_space<hbm>>
      tpu.wait_dma2 semaphore(%arg17 : memref<!tpu.dma_semaphore, #tpu.memory_space<semaphore_mem>>) src(%dma_wait3A_92 : memref<40x128xf32, #tpu.memory_space<hbm>>) dst(%arg5 : memref<40x128xf32, #tpu.memory_space<vmem>>)
      %mul3A_93 = arith.constant 40 : i32
      %mul3A_94 = arith.muli %add3A_86, %mul3A_93 : i32
      %add3A_95 = arith.addi %mul3A_2, %mul3A_94 : i32
      %dma_wait3A_96 = tpu.memref_slice %arg3[%add3A_95] : memref<320000xi32, #tpu.memory_space<hbm>> -> memref<40xi32, #tpu.memory_space<hbm>>
      %dma_wait3A_97 = tpu.memref_slice %arg3[%add3A_95] : memref<320000xi32, #tpu.memory_space<hbm>> -> memref<40xi32, #tpu.memory_space<hbm>>
      tpu.wait_dma2 semaphore(%arg17 : memref<!tpu.dma_semaphore, #tpu.memory_space<semaphore_mem>>) src(%dma_wait3A_97 : memref<40xi32, #tpu.memory_space<hbm>>) dst(%arg10 : memref<40xi32, #tpu.memory_space<vmem>>)
      "tpu.region"() ({
        %run_scoped3A = tpu.sem_alloc : memref<!tpu.dma_semaphore, #tpu.memory_space<semaphore_mem>>
        %dma_start3A_197 = arith.constant 0 : i32
        %dma_start3A_198 = arith.constant 0 : i32
        %dma_start3A_199 = tpu.memref_slice %arg16[%dma_start3A_197, %dma_start3A_198] : memref<10000x128xf32, #tpu.memory_space<vmem_shared>> -> memref<10000x128xf32, #tpu.memory_space<vmem_shared>>
        tpu.enqueue_indirect_dma source(%arg5 : memref<40x128xf32, #tpu.memory_space<vmem>>) target(%dma_start3A_199 : memref<10000x128xf32, #tpu.memory_space<vmem_shared>>) offsets(%arg10 : memref<40xi32, #tpu.memory_space<vmem>>) semaphore(%run_scoped3A : memref<!tpu.dma_semaphore, #tpu.memory_space<semaphore_mem>>) {add = true}
        %dma_wait3A_200 = arith.constant 0 : i32
        %dma_wait3A_201 = arith.constant 0 : i32
        %dma_wait3A_202 = tpu.memref_slice %arg16[%dma_wait3A_200, %dma_wait3A_201] : memref<10000x128xf32, #tpu.memory_space<vmem_shared>> -> memref<10000x128xf32, #tpu.memory_space<vmem_shared>>
        tpu.wait_indirect_dma semaphore(%run_scoped3A : memref<!tpu.dma_semaphore, #tpu.memory_space<semaphore_mem>>) src(%arg5 : memref<40x128xf32, #tpu.memory_space<vmem>>) dst(%dma_wait3A_202 : memref<10000x128xf32, #tpu.memory_space<vmem_shared>>)
        tpu.yield
      }) : () -> ()
      %add3A_98 = arith.constant 5 : i32
      %add3A_99 = arith.addi %add3A_86, %add3A_98 : i32
      %lt3A_100 = arith.constant 250 : i32
      %lt3A_101 = arith.cmpi slt, %add3A_99, %lt3A_100 : i32
      %convert_element_type3A_102 = arith.extui %lt3A_101 : i1 to i32
      %cond3A_103 = arith.constant 0 : i32
      %cond3A_104 = arith.cmpi ne, %convert_element_type3A_102, %cond3A_103 : i32
      scf.if %cond3A_104 {
        %add3A_197 = arith.constant 5 : i32
        %add3A_198 = arith.addi %add3A_86, %add3A_197 : i32
        %mul3A_199 = arith.constant 40 : i32
        %mul3A_200 = arith.muli %add3A_198, %mul3A_199 : i32
        %add3A_201 = arith.addi %mul3A_2, %mul3A_200 : i32
        %dma_start3A_202 = arith.constant 0 : i32
        %dma_start3A_203 = tpu.memref_slice %arg2[%add3A_201, %dma_start3A_202] : memref<320000x128xf32, #tpu.memory_space<hbm>> -> memref<40x128xf32, #tpu.memory_space<hbm>>
        %dma_start3A_204 = arith.constant 0 : i32
        %dma_start3A_205 = tpu.memref_slice %arg2[%add3A_201, %dma_start3A_204] : memref<320000x128xf32, #tpu.memory_space<hbm>> -> memref<40x128xf32, #tpu.memory_space<hbm>>
        tpu.enqueue_dma source(%dma_start3A_205 : memref<40x128xf32, #tpu.memory_space<hbm>>) target(%arg5 : memref<40x128xf32, #tpu.memory_space<vmem>>) target_semaphore(%arg17 : memref<!tpu.dma_semaphore, #tpu.memory_space<semaphore_mem>>)
        %mul3A_206 = arith.constant 40 : i32
        %mul3A_207 = arith.muli %add3A_198, %mul3A_206 : i32
        %add3A_208 = arith.addi %mul3A_2, %mul3A_207 : i32
        %dma_start3A_209 = tpu.memref_slice %arg3[%add3A_208] : memref<320000xi32, #tpu.memory_space<hbm>> -> memref<40xi32, #tpu.memory_space<hbm>>
        %dma_start3A_210 = tpu.memref_slice %arg3[%add3A_208] : memref<320000xi32, #tpu.memory_space<hbm>> -> memref<40xi32, #tpu.memory_space<hbm>>
        tpu.enqueue_dma source(%dma_start3A_210 : memref<40xi32, #tpu.memory_space<hbm>>) target(%arg10 : memref<40xi32, #tpu.memory_space<vmem>>) target_semaphore(%arg17 : memref<!tpu.dma_semaphore, #tpu.memory_space<semaphore_mem>>)
      } else {
      }
      %mul3A_105 = arith.constant 5 : i32
      %mul3A_106 = arith.muli %mul3A_105, %add3A_82 : i32
      %add3A_107 = arith.constant 1 : i32
      %add3A_108 = arith.addi %mul3A_106, %add3A_107 : i32
      %mul3A_109 = arith.constant 40 : i32
      %mul3A_110 = arith.muli %add3A_108, %mul3A_109 : i32
      %add3A_111 = arith.addi %mul3A_2, %mul3A_110 : i32
      %dma_wait3A_112 = arith.constant 0 : i32
      %dma_wait3A_113 = tpu.memref_slice %arg2[%add3A_111, %dma_wait3A_112] : memref<320000x128xf32, #tpu.memory_space<hbm>> -> memref<40x128xf32, #tpu.memory_space<hbm>>
      %dma_wait3A_114 = arith.constant 0 : i32
      %dma_wait3A_115 = tpu.memref_slice %arg2[%add3A_111, %dma_wait3A_114] : memref<320000x128xf32, #tpu.memory_space<hbm>> -> memref<40x128xf32, #tpu.memory_space<hbm>>
      tpu.wait_dma2 semaphore(%arg18 : memref<!tpu.dma_semaphore, #tpu.memory_space<semaphore_mem>>) src(%dma_wait3A_115 : memref<40x128xf32, #tpu.memory_space<hbm>>) dst(%arg6 : memref<40x128xf32, #tpu.memory_space<vmem>>)
      %mul3A_116 = arith.constant 40 : i32
      %mul3A_117 = arith.muli %add3A_108, %mul3A_116 : i32
      %add3A_118 = arith.addi %mul3A_2, %mul3A_117 : i32
      %dma_wait3A_119 = tpu.memref_slice %arg3[%add3A_118] : memref<320000xi32, #tpu.memory_space<hbm>> -> memref<40xi32, #tpu.memory_space<hbm>>
      %dma_wait3A_120 = tpu.memref_slice %arg3[%add3A_118] : memref<320000xi32, #tpu.memory_space<hbm>> -> memref<40xi32, #tpu.memory_space<hbm>>
      tpu.wait_dma2 semaphore(%arg18 : memref<!tpu.dma_semaphore, #tpu.memory_space<semaphore_mem>>) src(%dma_wait3A_120 : memref<40xi32, #tpu.memory_space<hbm>>) dst(%arg11 : memref<40xi32, #tpu.memory_space<vmem>>)
      "tpu.region"() ({
        %run_scoped3A = tpu.sem_alloc : memref<!tpu.dma_semaphore, #tpu.memory_space<semaphore_mem>>
        %dma_start3A_197 = arith.constant 0 : i32
        %dma_start3A_198 = arith.constant 0 : i32
        %dma_start3A_199 = tpu.memref_slice %arg16[%dma_start3A_197, %dma_start3A_198] : memref<10000x128xf32, #tpu.memory_space<vmem_shared>> -> memref<10000x128xf32, #tpu.memory_space<vmem_shared>>
        tpu.enqueue_indirect_dma source(%arg6 : memref<40x128xf32, #tpu.memory_space<vmem>>) target(%dma_start3A_199 : memref<10000x128xf32, #tpu.memory_space<vmem_shared>>) offsets(%arg11 : memref<40xi32, #tpu.memory_space<vmem>>) semaphore(%run_scoped3A : memref<!tpu.dma_semaphore, #tpu.memory_space<semaphore_mem>>) {add = true}
        %dma_wait3A_200 = arith.constant 0 : i32
        %dma_wait3A_201 = arith.constant 0 : i32
        %dma_wait3A_202 = tpu.memref_slice %arg16[%dma_wait3A_200, %dma_wait3A_201] : memref<10000x128xf32, #tpu.memory_space<vmem_shared>> -> memref<10000x128xf32, #tpu.memory_space<vmem_shared>>
        tpu.wait_indirect_dma semaphore(%run_scoped3A : memref<!tpu.dma_semaphore, #tpu.memory_space<semaphore_mem>>) src(%arg6 : memref<40x128xf32, #tpu.memory_space<vmem>>) dst(%dma_wait3A_202 : memref<10000x128xf32, #tpu.memory_space<vmem_shared>>)
        tpu.yield
      }) : () -> ()
      %add3A_121 = arith.constant 5 : i32
      %add3A_122 = arith.addi %add3A_108, %add3A_121 : i32
      %lt3A_123 = arith.constant 250 : i32
      %lt3A_124 = arith.cmpi slt, %add3A_122, %lt3A_123 : i32
      %convert_element_type3A_125 = arith.extui %lt3A_124 : i1 to i32
      %cond3A_126 = arith.constant 0 : i32
      %cond3A_127 = arith.cmpi ne, %convert_element_type3A_125, %cond3A_126 : i32
      scf.if %cond3A_127 {
        %add3A_197 = arith.constant 5 : i32
        %add3A_198 = arith.addi %add3A_108, %add3A_197 : i32
        %mul3A_199 = arith.constant 40 : i32
        %mul3A_200 = arith.muli %add3A_198, %mul3A_199 : i32
        %add3A_201 = arith.addi %mul3A_2, %mul3A_200 : i32
        %dma_start3A_202 = arith.constant 0 : i32
        %dma_start3A_203 = tpu.memref_slice %arg2[%add3A_201, %dma_start3A_202] : memref<320000x128xf32, #tpu.memory_space<hbm>> -> memref<40x128xf32, #tpu.memory_space<hbm>>
        %dma_start3A_204 = arith.constant 0 : i32
        %dma_start3A_205 = tpu.memref_slice %arg2[%add3A_201, %dma_start3A_204] : memref<320000x128xf32, #tpu.memory_space<hbm>> -> memref<40x128xf32, #tpu.memory_space<hbm>>
        tpu.enqueue_dma source(%dma_start3A_205 : memref<40x128xf32, #tpu.memory_space<hbm>>) target(%arg6 : memref<40x128xf32, #tpu.memory_space<vmem>>) target_semaphore(%arg18 : memref<!tpu.dma_semaphore, #tpu.memory_space<semaphore_mem>>)
        %mul3A_206 = arith.constant 40 : i32
        %mul3A_207 = arith.muli %add3A_198, %mul3A_206 : i32
        %add3A_208 = arith.addi %mul3A_2, %mul3A_207 : i32
        %dma_start3A_209 = tpu.memref_slice %arg3[%add3A_208] : memref<320000xi32, #tpu.memory_space<hbm>> -> memref<40xi32, #tpu.memory_space<hbm>>
        %dma_start3A_210 = tpu.memref_slice %arg3[%add3A_208] : memref<320000xi32, #tpu.memory_space<hbm>> -> memref<40xi32, #tpu.memory_space<hbm>>
        tpu.enqueue_dma source(%dma_start3A_210 : memref<40xi32, #tpu.memory_space<hbm>>) target(%arg11 : memref<40xi32, #tpu.memory_space<vmem>>) target_semaphore(%arg18 : memref<!tpu.dma_semaphore, #tpu.memory_space<semaphore_mem>>)
      } else {
      }
      %mul3A_128 = arith.constant 5 : i32
      %mul3A_129 = arith.muli %mul3A_128, %add3A_82 : i32
      %add3A_130 = arith.constant 2 : i32
      %add3A_131 = arith.addi %mul3A_129, %add3A_130 : i32
      %mul3A_132 = arith.constant 40 : i32
      %mul3A_133 = arith.muli %add3A_131, %mul3A_132 : i32
      %add3A_134 = arith.addi %mul3A_2, %mul3A_133 : i32
      %dma_wait3A_135 = arith.constant 0 : i32
      %dma_wait3A_136 = tpu.memref_slice %arg2[%add3A_134, %dma_wait3A_135] : memref<320000x128xf32, #tpu.memory_space<hbm>> -> memref<40x128xf32, #tpu.memory_space<hbm>>
      %dma_wait3A_137 = arith.constant 0 : i32
      %dma_wait3A_138 = tpu.memref_slice %arg2[%add3A_134, %dma_wait3A_137] : memref<320000x128xf32, #tpu.memory_space<hbm>> -> memref<40x128xf32, #tpu.memory_space<hbm>>
      tpu.wait_dma2 semaphore(%arg19 : memref<!tpu.dma_semaphore, #tpu.memory_space<semaphore_mem>>) src(%dma_wait3A_138 : memref<40x128xf32, #tpu.memory_space<hbm>>) dst(%arg7 : memref<40x128xf32, #tpu.memory_space<vmem>>)
      %mul3A_139 = arith.constant 40 : i32
      %mul3A_140 = arith.muli %add3A_131, %mul3A_139 : i32
      %add3A_141 = arith.addi %mul3A_2, %mul3A_140 : i32
      %dma_wait3A_142 = tpu.memref_slice %arg3[%add3A_141] : memref<320000xi32, #tpu.memory_space<hbm>> -> memref<40xi32, #tpu.memory_space<hbm>>
      %dma_wait3A_143 = tpu.memref_slice %arg3[%add3A_141] : memref<320000xi32, #tpu.memory_space<hbm>> -> memref<40xi32, #tpu.memory_space<hbm>>
      tpu.wait_dma2 semaphore(%arg19 : memref<!tpu.dma_semaphore, #tpu.memory_space<semaphore_mem>>) src(%dma_wait3A_143 : memref<40xi32, #tpu.memory_space<hbm>>) dst(%arg12 : memref<40xi32, #tpu.memory_space<vmem>>)
      "tpu.region"() ({
        %run_scoped3A = tpu.sem_alloc : memref<!tpu.dma_semaphore, #tpu.memory_space<semaphore_mem>>
        %dma_start3A_197 = arith.constant 0 : i32
        %dma_start3A_198 = arith.constant 0 : i32
        %dma_start3A_199 = tpu.memref_slice %arg16[%dma_start3A_197, %dma_start3A_198] : memref<10000x128xf32, #tpu.memory_space<vmem_shared>> -> memref<10000x128xf32, #tpu.memory_space<vmem_shared>>
        tpu.enqueue_indirect_dma source(%arg7 : memref<40x128xf32, #tpu.memory_space<vmem>>) target(%dma_start3A_199 : memref<10000x128xf32, #tpu.memory_space<vmem_shared>>) offsets(%arg12 : memref<40xi32, #tpu.memory_space<vmem>>) semaphore(%run_scoped3A : memref<!tpu.dma_semaphore, #tpu.memory_space<semaphore_mem>>) {add = true}
        %dma_wait3A_200 = arith.constant 0 : i32
        %dma_wait3A_201 = arith.constant 0 : i32
        %dma_wait3A_202 = tpu.memref_slice %arg16[%dma_wait3A_200, %dma_wait3A_201] : memref<10000x128xf32, #tpu.memory_space<vmem_shared>> -> memref<10000x128xf32, #tpu.memory_space<vmem_shared>>
        tpu.wait_indirect_dma semaphore(%run_scoped3A : memref<!tpu.dma_semaphore, #tpu.memory_space<semaphore_mem>>) src(%arg7 : memref<40x128xf32, #tpu.memory_space<vmem>>) dst(%dma_wait3A_202 : memref<10000x128xf32, #tpu.memory_space<vmem_shared>>)
        tpu.yield
      }) : () -> ()
      %add3A_144 = arith.constant 5 : i32
      %add3A_145 = arith.addi %add3A_131, %add3A_144 : i32
      %lt3A_146 = arith.constant 250 : i32
      %lt3A_147 = arith.cmpi slt, %add3A_145, %lt3A_146 : i32
      %convert_element_type3A_148 = arith.extui %lt3A_147 : i1 to i32
      %cond3A_149 = arith.constant 0 : i32
      %cond3A_150 = arith.cmpi ne, %convert_element_type3A_148, %cond3A_149 : i32
      scf.if %cond3A_150 {
        %add3A_197 = arith.constant 5 : i32
        %add3A_198 = arith.addi %add3A_131, %add3A_197 : i32
        %mul3A_199 = arith.constant 40 : i32
        %mul3A_200 = arith.muli %add3A_198, %mul3A_199 : i32
        %add3A_201 = arith.addi %mul3A_2, %mul3A_200 : i32
        %dma_start3A_202 = arith.constant 0 : i32
        %dma_start3A_203 = tpu.memref_slice %arg2[%add3A_201, %dma_start3A_202] : memref<320000x128xf32, #tpu.memory_space<hbm>> -> memref<40x128xf32, #tpu.memory_space<hbm>>
        %dma_start3A_204 = arith.constant 0 : i32
        %dma_start3A_205 = tpu.memref_slice %arg2[%add3A_201, %dma_start3A_204] : memref<320000x128xf32, #tpu.memory_space<hbm>> -> memref<40x128xf32, #tpu.memory_space<hbm>>
        tpu.enqueue_dma source(%dma_start3A_205 : memref<40x128xf32, #tpu.memory_space<hbm>>) target(%arg7 : memref<40x128xf32, #tpu.memory_space<vmem>>) target_semaphore(%arg19 : memref<!tpu.dma_semaphore, #tpu.memory_space<semaphore_mem>>)
        %mul3A_206 = arith.constant 40 : i32
        %mul3A_207 = arith.muli %add3A_198, %mul3A_206 : i32
        %add3A_208 = arith.addi %mul3A_2, %mul3A_207 : i32
        %dma_start3A_209 = tpu.memref_slice %arg3[%add3A_208] : memref<320000xi32, #tpu.memory_space<hbm>> -> memref<40xi32, #tpu.memory_space<hbm>>
        %dma_start3A_210 = tpu.memref_slice %arg3[%add3A_208] : memref<320000xi32, #tpu.memory_space<hbm>> -> memref<40xi32, #tpu.memory_space<hbm>>
        tpu.enqueue_dma source(%dma_start3A_210 : memref<40xi32, #tpu.memory_space<hbm>>) target(%arg12 : memref<40xi32, #tpu.memory_space<vmem>>) target_semaphore(%arg19 : memref<!tpu.dma_semaphore, #tpu.memory_space<semaphore_mem>>)
      } else {
      }
      %mul3A_151 = arith.constant 5 : i32
      %mul3A_152 = arith.muli %mul3A_151, %add3A_82 : i32
      %add3A_153 = arith.constant 3 : i32
      %add3A_154 = arith.addi %mul3A_152, %add3A_153 : i32
      %mul3A_155 = arith.constant 40 : i32
      %mul3A_156 = arith.muli %add3A_154, %mul3A_155 : i32
      %add3A_157 = arith.addi %mul3A_2, %mul3A_156 : i32
      %dma_wait3A_158 = arith.constant 0 : i32
      %dma_wait3A_159 = tpu.memref_slice %arg2[%add3A_157, %dma_wait3A_158] : memref<320000x128xf32, #tpu.memory_space<hbm>> -> memref<40x128xf32, #tpu.memory_space<hbm>>
      %dma_wait3A_160 = arith.constant 0 : i32
      %dma_wait3A_161 = tpu.memref_slice %arg2[%add3A_157, %dma_wait3A_160] : memref<320000x128xf32, #tpu.memory_space<hbm>> -> memref<40x128xf32, #tpu.memory_space<hbm>>
      tpu.wait_dma2 semaphore(%arg20 : memref<!tpu.dma_semaphore, #tpu.memory_space<semaphore_mem>>) src(%dma_wait3A_161 : memref<40x128xf32, #tpu.memory_space<hbm>>) dst(%arg8 : memref<40x128xf32, #tpu.memory_space<vmem>>)
      %mul3A_162 = arith.constant 40 : i32
      %mul3A_163 = arith.muli %add3A_154, %mul3A_162 : i32
      %add3A_164 = arith.addi %mul3A_2, %mul3A_163 : i32
      %dma_wait3A_165 = tpu.memref_slice %arg3[%add3A_164] : memref<320000xi32, #tpu.memory_space<hbm>> -> memref<40xi32, #tpu.memory_space<hbm>>
      %dma_wait3A_166 = tpu.memref_slice %arg3[%add3A_164] : memref<320000xi32, #tpu.memory_space<hbm>> -> memref<40xi32, #tpu.memory_space<hbm>>
      tpu.wait_dma2 semaphore(%arg20 : memref<!tpu.dma_semaphore, #tpu.memory_space<semaphore_mem>>) src(%dma_wait3A_166 : memref<40xi32, #tpu.memory_space<hbm>>) dst(%arg13 : memref<40xi32, #tpu.memory_space<vmem>>)
      "tpu.region"() ({
        %run_scoped3A = tpu.sem_alloc : memref<!tpu.dma_semaphore, #tpu.memory_space<semaphore_mem>>
        %dma_start3A_197 = arith.constant 0 : i32
        %dma_start3A_198 = arith.constant 0 : i32
        %dma_start3A_199 = tpu.memref_slice %arg16[%dma_start3A_197, %dma_start3A_198] : memref<10000x128xf32, #tpu.memory_space<vmem_shared>> -> memref<10000x128xf32, #tpu.memory_space<vmem_shared>>
        tpu.enqueue_indirect_dma source(%arg8 : memref<40x128xf32, #tpu.memory_space<vmem>>) target(%dma_start3A_199 : memref<10000x128xf32, #tpu.memory_space<vmem_shared>>) offsets(%arg13 : memref<40xi32, #tpu.memory_space<vmem>>) semaphore(%run_scoped3A : memref<!tpu.dma_semaphore, #tpu.memory_space<semaphore_mem>>) {add = true}
        %dma_wait3A_200 = arith.constant 0 : i32
        %dma_wait3A_201 = arith.constant 0 : i32
        %dma_wait3A_202 = tpu.memref_slice %arg16[%dma_wait3A_200, %dma_wait3A_201] : memref<10000x128xf32, #tpu.memory_space<vmem_shared>> -> memref<10000x128xf32, #tpu.memory_space<vmem_shared>>
        tpu.wait_indirect_dma semaphore(%run_scoped3A : memref<!tpu.dma_semaphore, #tpu.memory_space<semaphore_mem>>) src(%arg8 : memref<40x128xf32, #tpu.memory_space<vmem>>) dst(%dma_wait3A_202 : memref<10000x128xf32, #tpu.memory_space<vmem_shared>>)
        tpu.yield
      }) : () -> ()
      %add3A_167 = arith.constant 5 : i32
      %add3A_168 = arith.addi %add3A_154, %add3A_167 : i32
      %lt3A_169 = arith.constant 250 : i32
      %lt3A_170 = arith.cmpi slt, %add3A_168, %lt3A_169 : i32
      %convert_element_type3A_171 = arith.extui %lt3A_170 : i1 to i32
      %cond3A_172 = arith.constant 0 : i32
      %cond3A_173 = arith.cmpi ne, %convert_element_type3A_171, %cond3A_172 : i32
      scf.if %cond3A_173 {
        %add3A_197 = arith.constant 5 : i32
        %add3A_198 = arith.addi %add3A_154, %add3A_197 : i32
        %mul3A_199 = arith.constant 40 : i32
        %mul3A_200 = arith.muli %add3A_198, %mul3A_199 : i32
        %add3A_201 = arith.addi %mul3A_2, %mul3A_200 : i32
        %dma_start3A_202 = arith.constant 0 : i32
        %dma_start3A_203 = tpu.memref_slice %arg2[%add3A_201, %dma_start3A_202] : memref<320000x128xf32, #tpu.memory_space<hbm>> -> memref<40x128xf32, #tpu.memory_space<hbm>>
        %dma_start3A_204 = arith.constant 0 : i32
        %dma_start3A_205 = tpu.memref_slice %arg2[%add3A_201, %dma_start3A_204] : memref<320000x128xf32, #tpu.memory_space<hbm>> -> memref<40x128xf32, #tpu.memory_space<hbm>>
        tpu.enqueue_dma source(%dma_start3A_205 : memref<40x128xf32, #tpu.memory_space<hbm>>) target(%arg8 : memref<40x128xf32, #tpu.memory_space<vmem>>) target_semaphore(%arg20 : memref<!tpu.dma_semaphore, #tpu.memory_space<semaphore_mem>>)
        %mul3A_206 = arith.constant 40 : i32
        %mul3A_207 = arith.muli %add3A_198, %mul3A_206 : i32
        %add3A_208 = arith.addi %mul3A_2, %mul3A_207 : i32
        %dma_start3A_209 = tpu.memref_slice %arg3[%add3A_208] : memref<320000xi32, #tpu.memory_space<hbm>> -> memref<40xi32, #tpu.memory_space<hbm>>
        %dma_start3A_210 = tpu.memref_slice %arg3[%add3A_208] : memref<320000xi32, #tpu.memory_space<hbm>> -> memref<40xi32, #tpu.memory_space<hbm>>
        tpu.enqueue_dma source(%dma_start3A_210 : memref<40xi32, #tpu.memory_space<hbm>>) target(%arg13 : memref<40xi32, #tpu.memory_space<vmem>>) target_semaphore(%arg20 : memref<!tpu.dma_semaphore, #tpu.memory_space<semaphore_mem>>)
      } else {
      }
      %mul3A_174 = arith.constant 5 : i32
      %mul3A_175 = arith.muli %mul3A_174, %add3A_82 : i32
      %add3A_176 = arith.constant 4 : i32
      %add3A_177 = arith.addi %mul3A_175, %add3A_176 : i32
      %mul3A_178 = arith.constant 40 : i32
      %mul3A_179 = arith.muli %add3A_177, %mul3A_178 : i32
      %add3A_180 = arith.addi %mul3A_2, %mul3A_179 : i32
      %dma_wait3A_181 = arith.constant 0 : i32
      %dma_wait3A_182 = tpu.memref_slice %arg2[%add3A_180, %dma_wait3A_181] : memref<320000x128xf32, #tpu.memory_space<hbm>> -> memref<40x128xf32, #tpu.memory_space<hbm>>
      %dma_wait3A_183 = arith.constant 0 : i32
      %dma_wait3A_184 = tpu.memref_slice %arg2[%add3A_180, %dma_wait3A_183] : memref<320000x128xf32, #tpu.memory_space<hbm>> -> memref<40x128xf32, #tpu.memory_space<hbm>>
      tpu.wait_dma2 semaphore(%arg21 : memref<!tpu.dma_semaphore, #tpu.memory_space<semaphore_mem>>) src(%dma_wait3A_184 : memref<40x128xf32, #tpu.memory_space<hbm>>) dst(%arg9 : memref<40x128xf32, #tpu.memory_space<vmem>>)
      %mul3A_185 = arith.constant 40 : i32
      %mul3A_186 = arith.muli %add3A_177, %mul3A_185 : i32
      %add3A_187 = arith.addi %mul3A_2, %mul3A_186 : i32
      %dma_wait3A_188 = tpu.memref_slice %arg3[%add3A_187] : memref<320000xi32, #tpu.memory_space<hbm>> -> memref<40xi32, #tpu.memory_space<hbm>>
      %dma_wait3A_189 = tpu.memref_slice %arg3[%add3A_187] : memref<320000xi32, #tpu.memory_space<hbm>> -> memref<40xi32, #tpu.memory_space<hbm>>
      tpu.wait_dma2 semaphore(%arg21 : memref<!tpu.dma_semaphore, #tpu.memory_space<semaphore_mem>>) src(%dma_wait3A_189 : memref<40xi32, #tpu.memory_space<hbm>>) dst(%arg14 : memref<40xi32, #tpu.memory_space<vmem>>)
      "tpu.region"() ({
        %run_scoped3A = tpu.sem_alloc : memref<!tpu.dma_semaphore, #tpu.memory_space<semaphore_mem>>
        %dma_start3A_197 = arith.constant 0 : i32
        %dma_start3A_198 = arith.constant 0 : i32
        %dma_start3A_199 = tpu.memref_slice %arg16[%dma_start3A_197, %dma_start3A_198] : memref<10000x128xf32, #tpu.memory_space<vmem_shared>> -> memref<10000x128xf32, #tpu.memory_space<vmem_shared>>
        tpu.enqueue_indirect_dma source(%arg9 : memref<40x128xf32, #tpu.memory_space<vmem>>) target(%dma_start3A_199 : memref<10000x128xf32, #tpu.memory_space<vmem_shared>>) offsets(%arg14 : memref<40xi32, #tpu.memory_space<vmem>>) semaphore(%run_scoped3A : memref<!tpu.dma_semaphore, #tpu.memory_space<semaphore_mem>>) {add = true}
        %dma_wait3A_200 = arith.constant 0 : i32
        %dma_wait3A_201 = arith.constant 0 : i32
        %dma_wait3A_202 = tpu.memref_slice %arg16[%dma_wait3A_200, %dma_wait3A_201] : memref<10000x128xf32, #tpu.memory_space<vmem_shared>> -> memref<10000x128xf32, #tpu.memory_space<vmem_shared>>
        tpu.wait_indirect_dma semaphore(%run_scoped3A : memref<!tpu.dma_semaphore, #tpu.memory_space<semaphore_mem>>) src(%arg9 : memref<40x128xf32, #tpu.memory_space<vmem>>) dst(%dma_wait3A_202 : memref<10000x128xf32, #tpu.memory_space<vmem_shared>>)
        tpu.yield
      }) : () -> ()
      %add3A_190 = arith.constant 5 : i32
      %add3A_191 = arith.addi %add3A_177, %add3A_190 : i32
      %lt3A_192 = arith.constant 250 : i32
      %lt3A_193 = arith.cmpi slt, %add3A_191, %lt3A_192 : i32
      %convert_element_type3A_194 = arith.extui %lt3A_193 : i1 to i32
      %cond3A_195 = arith.constant 0 : i32
      %cond3A_196 = arith.cmpi ne, %convert_element_type3A_194, %cond3A_195 : i32
      scf.if %cond3A_196 {
        %add3A_197 = arith.constant 5 : i32
        %add3A_198 = arith.addi %add3A_177, %add3A_197 : i32
        %mul3A_199 = arith.constant 40 : i32
        %mul3A_200 = arith.muli %add3A_198, %mul3A_199 : i32
        %add3A_201 = arith.addi %mul3A_2, %mul3A_200 : i32
        %dma_start3A_202 = arith.constant 0 : i32
        %dma_start3A_203 = tpu.memref_slice %arg2[%add3A_201, %dma_start3A_202] : memref<320000x128xf32, #tpu.memory_space<hbm>> -> memref<40x128xf32, #tpu.memory_space<hbm>>
        %dma_start3A_204 = arith.constant 0 : i32
        %dma_start3A_205 = tpu.memref_slice %arg2[%add3A_201, %dma_start3A_204] : memref<320000x128xf32, #tpu.memory_space<hbm>> -> memref<40x128xf32, #tpu.memory_space<hbm>>
        tpu.enqueue_dma source(%dma_start3A_205 : memref<40x128xf32, #tpu.memory_space<hbm>>) target(%arg9 : memref<40x128xf32, #tpu.memory_space<vmem>>) target_semaphore(%arg21 : memref<!tpu.dma_semaphore, #tpu.memory_space<semaphore_mem>>)
        %mul3A_206 = arith.constant 40 : i32
        %mul3A_207 = arith.muli %add3A_198, %mul3A_206 : i32
        %add3A_208 = arith.addi %mul3A_2, %mul3A_207 : i32
        %dma_start3A_209 = tpu.memref_slice %arg3[%add3A_208] : memref<320000xi32, #tpu.memory_space<hbm>> -> memref<40xi32, #tpu.memory_space<hbm>>
        %dma_start3A_210 = tpu.memref_slice %arg3[%add3A_208] : memref<320000xi32, #tpu.memory_space<hbm>> -> memref<40xi32, #tpu.memory_space<hbm>>
        tpu.enqueue_dma source(%dma_start3A_210 : memref<40xi32, #tpu.memory_space<hbm>>) target(%arg14 : memref<40xi32, #tpu.memory_space<vmem>>) target_semaphore(%arg21 : memref<!tpu.dma_semaphore, #tpu.memory_space<semaphore_mem>>)
      } else {
      }
    }
    %scan3A_70 = arith.constant 50 : i32
    %barrier3A_71 = arith.constant 0 : index
    tpu.barrier barrier_id(%barrier3A_71)
    %lt3A = arith.constant 15 : i32
    %lt3A_72 = arith.cmpi slt, %arg1, %lt3A : i32
    %convert_element_type3A = arith.extui %lt3A_72 : i1 to i32
    %cond3A = arith.constant 0 : i32
    %cond3A_73 = arith.cmpi ne, %convert_element_type3A, %cond3A : i32
    scf.if %cond3A_73 {
      %mul3A_78 = arith.constant 640 : i32
      %mul3A_79 = arith.muli %arg1, %mul3A_78 : i32
      %mul3A_80 = arith.constant 640 : i32
      %mul3A_81 = arith.muli %arg1, %mul3A_80 : i32
      "tpu.region"() ({
        %run_scoped3A = tpu.sem_alloc : memref<!tpu.dma_semaphore, #tpu.memory_space<semaphore_mem>>
        %dma_start3A_82 = arith.constant 0 : i32
        %dma_start3A_83 = tpu.memref_slice %arg4[%arg0, %mul3A_81, %dma_start3A_82] : memref<2x10000x128xf32, #tpu.memory_space<hbm>> -> memref<1x640x128xf32, #tpu.memory_space<hbm>>
        %dma_start3A_84 = tpu.memref_squeeze %dma_start3A_83 : memref<1x640x128xf32, #tpu.memory_space<hbm>> -> memref<640x128xf32, #tpu.memory_space<hbm>>
        %dma_start3A_85 = arith.constant 0 : i32
        %dma_start3A_86 = tpu.memref_slice %arg16[%mul3A_79, %dma_start3A_85] : memref<10000x128xf32, #tpu.memory_space<vmem_shared>> -> memref<640x128xf32, #tpu.memory_space<vmem_shared>>
        tpu.enqueue_dma source(%dma_start3A_86 : memref<640x128xf32, #tpu.memory_space<vmem_shared>>) target(%dma_start3A_84 : memref<640x128xf32, #tpu.memory_space<hbm>>) target_semaphore(%run_scoped3A : memref<!tpu.dma_semaphore, #tpu.memory_space<semaphore_mem>>)
        %dma_wait3A = arith.constant 0 : i32
        %dma_wait3A_87 = tpu.memref_slice %arg4[%arg0, %mul3A_81, %dma_wait3A] : memref<2x10000x128xf32, #tpu.memory_space<hbm>> -> memref<1x640x128xf32, #tpu.memory_space<hbm>>
        %dma_wait3A_88 = tpu.memref_squeeze %dma_wait3A_87 : memref<1x640x128xf32, #tpu.memory_space<hbm>> -> memref<640x128xf32, #tpu.memory_space<hbm>>
        %dma_wait3A_89 = arith.constant 0 : i32
        %dma_wait3A_90 = tpu.memref_slice %arg16[%mul3A_79, %dma_wait3A_89] : memref<10000x128xf32, #tpu.memory_space<vmem_shared>> -> memref<640x128xf32, #tpu.memory_space<vmem_shared>>
        tpu.wait_dma2 semaphore(%run_scoped3A : memref<!tpu.dma_semaphore, #tpu.memory_space<semaphore_mem>>) src(%dma_wait3A_90 : memref<640x128xf32, #tpu.memory_space<vmem_shared>>) dst(%dma_wait3A_88 : memref<640x128xf32, #tpu.memory_space<hbm>>)
        tpu.yield
      }) : () -> ()
    } else {
    }
    %eq3A = arith.constant 15 : i32
    %eq3A_74 = arith.cmpi eq, %arg1, %eq3A : i32
    %convert_element_type3A_75 = arith.extui %eq3A_74 : i1 to i32
    %cond3A_76 = arith.constant 0 : i32
    %cond3A_77 = arith.cmpi ne, %convert_element_type3A_75, %cond3A_76 : i32
    scf.if %cond3A_77 {
      "tpu.region"() ({
        %run_scoped3A = tpu.sem_alloc : memref<!tpu.dma_semaphore, #tpu.memory_space<semaphore_mem>>
        %dma_start3A_78 = arith.constant 9600 : i32
        %dma_start3A_79 = arith.constant 0 : i32
        %dma_start3A_80 = tpu.memref_slice %arg4[%arg0, %dma_start3A_78, %dma_start3A_79] : memref<2x10000x128xf32, #tpu.memory_space<hbm>> -> memref<1x400x128xf32, #tpu.memory_space<hbm>>
        %dma_start3A_81 = tpu.memref_squeeze %dma_start3A_80 : memref<1x400x128xf32, #tpu.memory_space<hbm>> -> memref<400x128xf32, #tpu.memory_space<hbm>>
        %dma_start3A_82 = arith.constant 9600 : i32
        %dma_start3A_83 = arith.constant 0 : i32
        %dma_start3A_84 = tpu.memref_slice %arg16[%dma_start3A_82, %dma_start3A_83] : memref<10000x128xf32, #tpu.memory_space<vmem_shared>> -> memref<400x128xf32, #tpu.memory_space<vmem_shared>>
        tpu.enqueue_dma source(%dma_start3A_84 : memref<400x128xf32, #tpu.memory_space<vmem_shared>>) target(%dma_start3A_81 : memref<400x128xf32, #tpu.memory_space<hbm>>) target_semaphore(%run_scoped3A : memref<!tpu.dma_semaphore, #tpu.memory_space<semaphore_mem>>)
        %dma_wait3A = arith.constant 9600 : i32
        %dma_wait3A_85 = arith.constant 0 : i32
        %dma_wait3A_86 = tpu.memref_slice %arg4[%arg0, %dma_wait3A, %dma_wait3A_85] : memref<2x10000x128xf32, #tpu.memory_space<hbm>> -> memref<1x400x128xf32, #tpu.memory_space<hbm>>
        %dma_wait3A_87 = tpu.memref_squeeze %dma_wait3A_86 : memref<1x400x128xf32, #tpu.memory_space<hbm>> -> memref<400x128xf32, #tpu.memory_space<hbm>>
        %dma_wait3A_88 = arith.constant 9600 : i32
        %dma_wait3A_89 = arith.constant 0 : i32
        %dma_wait3A_90 = tpu.memref_slice %arg16[%dma_wait3A_88, %dma_wait3A_89] : memref<10000x128xf32, #tpu.memory_space<vmem_shared>> -> memref<400x128xf32, #tpu.memory_space<vmem_shared>>
        tpu.wait_dma2 semaphore(%run_scoped3A : memref<!tpu.dma_semaphore, #tpu.memory_space<semaphore_mem>>) src(%dma_wait3A_90 : memref<400x128xf32, #tpu.memory_space<vmem_shared>>) dst(%dma_wait3A_87 : memref<400x128xf32, #tpu.memory_space<hbm>>)
        tpu.yield
      }) : () -> ()
    } else {
    }
    return
  }
}

module attributes {stable_mosaic.version = 14 : i64} {
  func.func @body(%arg0: i32, %arg1: memref<1x1000x128xf32, #tpu.memory_space<vmem>>, %arg2: memref<1x1000x128xf32, #tpu.memory_space<vmem>>, %arg3: memref<1000x128xf32, #tpu.memory_space<vmem>>) attributes {dimension_semantics = [#tpu.dimension_semantics<arbitrary>], iteration_bounds = array<i64: 10>, scalar_prefetch = 0 : i64, scratch_operands = 0 : i64, tpu.core_type = #tpu.core_type<tc>, window_params = [{transform_indices = @transform_0, window_bounds = array<i64: 1, 1000, 128>}, {transform_indices = @transform_1, window_bounds = array<i64: 1, 1000, 128>}, {transform_indices = @transform_2, window_bounds = array<i64: 1000, 128>}]} {
    %get3A = arith.constant 0 : index
    %get3A_0 = arith.constant 0 : index
    %get3A_1 = arith.constant 0 : index
    %get3A_2 = vector.load %arg1[%get3A, %get3A_0, %get3A_1] : memref<1x1000x128xf32, #tpu.memory_space<vmem>>, vector<1x1000x128xf32>
    %get3A_3 = vector.shape_cast %get3A_2 : vector<1x1000x128xf32> to vector<1000x128xf32>
    %get3A_4 = arith.constant 0 : index
    %get3A_5 = arith.constant 0 : index
    %get3A_6 = arith.constant 0 : index
    %get3A_7 = vector.load %arg2[%get3A_4, %get3A_5, %get3A_6] : memref<1x1000x128xf32, #tpu.memory_space<vmem>>, vector<1x1000x128xf32>
    %get3A_8 = vector.shape_cast %get3A_7 : vector<1x1000x128xf32> to vector<1000x128xf32>
    %add3A = arith.addf %get3A_3, %get3A_8 : vector<1000x128xf32>
    %swap3A = arith.constant 0 : index
    %swap3A_9 = arith.constant 0 : index
    %swap3A_10 = vector.load %arg3[%swap3A, %swap3A_9] : memref<1000x128xf32, #tpu.memory_space<vmem>>, vector<1000x128xf32>
    tpu.vector_store %arg3[%swap3A, %swap3A_9], %add3A {strides = array<i32>} : memref<1000x128xf32, #tpu.memory_space<vmem>>, vector<1000x128xf32>,
    return
  }
  func.func @transform_0(%arg0: i32) -> (i32, i32, i32) {
    %c0_i32 = arith.constant 0 : i32
    %c0_i32_0 = arith.constant 0 : i32
    %c0_i32_1 = arith.constant 0 : i32
    return %c0_i32, %arg0, %c0_i32_0 : i32, i32, i32
  }
  func.func @transform_1(%arg0: i32) -> (i32, i32, i32) {
    %c1_i32 = arith.constant 1 : i32
    %c0_i32 = arith.constant 0 : i32
    %c0_i32_0 = arith.constant 0 : i32
    return %c1_i32, %arg0, %c0_i32 : i32, i32, i32
  }
  func.func @transform_2(%arg0: i32) -> (i32, i32) {
    %c0_i32 = arith.constant 0 : i32
    %c0_i32_0 = arith.constant 0 : i32
    return %arg0, %c0_i32 : i32, i32
  }
}

</mosaic_0001>

<sc_bundles>
// kernel: kernel.4.cloned.1.call-start
scs
__scs_entry_jumppad:
0x0: {  	(pc) =	sbr.rel $0x88, $3  }
0x1: {  	(tag) =	ssettag $0x0;
	lr =	simm.s32 $0x1  }
0x2: {  	[smem:$0x3F9F] =	sst lr;
	_ =	strace $0xD0000000  }
0x3: {  	_ = 	snop  }
0x4: {  	_ = 	snop  }
0x5: {  	_ = 	snop  }
0x6: {  	_ = 	snop  }
0x7: {  	_ = 	snop  }
__scs_overlays_trampoline_lowered:
0x8: {  	[smem:$0x3FAE] =	sst s0  }
0x9: {  	[smem:$0x3FAF] =	sst s1  }
0xa: {  	[smem:$0x3FB0] =	sst s2  }
0xb: {  	[smem:$0x3FB1] =	sst s3  }
0xc: {  	[smem:$0x3FB2] =	sst s4  }
0xd: {  	[smem:$0x3FB3] =	sst s5  }
0xe: {  	[smem:$0x3FB4] =	sst s6  }
0xf: {  	[smem:$0x3FB5] =	sst s7  }
0x10: {  	[smem:$0x3FB6] =	sst s8  }
0x11: {  	[smem:$0x3FB7] =	sst s9;
	s0 =	simm.s32 @!p0 $0x0  }
0x12: {  	s1 =	sld [smem:$0x3F9D];
	s0 =	simm.s32 @p0 $0x1  }
0x13: {  	[smem:$0x3FB8] =	sst s0;
	s0 =	simm.s32 @!p1 $0x0  }
0x14: {  	s2 =	sld [smem:$0x3F9C];
	s0 =	simm.s32 @p1 $0x1  }
0x15: {  	[smem:$0x3FB9] =	sst s0;
	s0 =	simm.s32 @!p2 $0x0  }
0x16: {  	s3 =	sld [smem:$0x3FDB];
	s0 =	simm.s32 @p2 $0x1  }
0x17: {  	s4 =	simm.s32 $0x1BF5;
	[smem:$0x3FBB] =	sst s0  }
0x18: {  	s0 =	sld [smem:$0x3F9E];
	_ =	swait.ge [sflag:s4], $0x0  }
0x19: {  	s7 =	sld [smem:$0x3F9F]  }
0x1a: {  	s8 =	sadd.s32 $0xFFFFE003, lr  }
0x1b: {  	s9 =	sadd.s32 $0xFFFFFEF7, lr;
	s5 =	simm.s32 $0xFFFFFFFF;
	p2 =	slt.u32 s8, $0xFFFFF086  }
0x1c: {  	p1 =	slt.u32 s9, $0xF7A;
	s5 =	simm.s32 @!p2 $0x0  }
0x1d: {  	s5 =	simm.s32 @p1 $0x1;
	p0 =	seq.s32 s7, s2  }
0x1e: {  	s7 =	smul.u32 @!p0 $0xF7A, s2;
	p2 =	seq.s32 @!p0 s5, $0x0  }
0x1f: {  	s9 =	smul.u32 $0xF7A, s1;
	s8 =	simm.s32 @!p0 $0x1BF5;
	p2 =	por !p2, p0  }
0x20: {  	[sflag:s8] =	ssyncset.s32 @!p0 $0xFFFFF086;
	s6 =	sadd.s32 @!p0 s3, s7;
	s7 =	simm.s32 @!p0 $0x108  }
0x21: {  	s3 =	sadd.s32 s3, s9;
	s6 =	sadd.s32 @!p0 $0x88, s6;
	s7 =	simm.s32 @p2 $0x1082  }
0x22: {  	[simem:s7], [sflag:s8] =	dma.local @!p0 [hbm:s6], $0xF7A  }
0x23: {  	s9 =	sor.u32 $0xD0000000, s2;
	s6 =	simm.s32 $0x108;
	_ =	swait.ge @!p0 [sflag:s8], $0x0  }
0x24: {  	s3 =	sadd.s32 $0x88, s3;
	s6 =	simm.s32 @!p1 $0x1082;
	[sflag:s4] =	ssyncset.s32 $0xFFFFF086  }
0x25: {  	[simem:s6], [sflag:s4] =	dma.local [hbm:s3], $0xF7A  }
0x26: {  	[smem:$0x3F9F] =	sst s1;
	(tag) =	ssettag s2;
	_ =	strace s9  }
0x27: {  	s1 =	sld [smem:$0x3FAF]  }
0x28: {  	s2 =	sld [smem:$0x3FB0]  }
0x29: {  	s4 =	sld [smem:$0x3FB2]  }
0x2a: {  	p0 =	seq.s32 s5, $0x0;
	s5 =	sld [smem:$0x3FB3]  }
0x2b: {  	s6 =	sld [smem:$0x3FB4]  }
0x2c: {  	s7 =	sld [smem:$0x3FB5]  }
0x2d: {  	s3 =	simm.s32 $0x108;
	s8 =	sld [smem:$0x3FB6]  }
0x2e: {  	s3 =	simm.s32 @!p0 $0x1082;
	s9 =	sld [smem:$0x3FB7]  }
0x2f: {  	lr =	sadd.s32 s0, s3;
	s0 =	sld [smem:$0x3FAE]  }
0x30: {  	s3 =	sld [smem:$0x3FB1]  }
0x31: {  	[smem:$0x3FBA] =	sst s10  }
0x32: {  	s10 =	sld [smem:$0x3FB8];
	_ =	sdelay $0x3  }
0x33: {  	p0 =	seq.s32 s10, $0x1;
	s10 =	sld [smem:$0x3FBA];
	_ =	sdelay $0x3  }
0x34: {  	[smem:$0x3FBA] =	sst s10  }
0x35: {  	s10 =	sld [smem:$0x3FB9];
	_ =	sdelay $0x3  }
0x36: {  	p1 =	seq.s32 s10, $0x1;
	s10 =	sld [smem:$0x3FBA];
	_ =	sdelay $0x3  }
0x37: {  	[smem:$0x3FBA] =	sst s10  }
0x38: {  	s10 =	sld [smem:$0x3FBB]  }
0x39: {  	_ = 	snop;
	(pc) =	sbr.ind lr, $3  }
0x3a: {  	_ = 	snop  }
0x3b: {  	_ = 	snop  }
0x3c: {  	p2 =	seq.s32 s10, $0x1;
	s10 =	sld [smem:$0x3FBA]  }
0x3d: {  	_ =	shalt  }
0x3e: {  	_ =	shalt  }
0x3f: {  	_ =	shalt  }
0x40: {  	_ =	shalt  }
0x41: {  	_ =	shalt  }
0x42: {  	_ =	shalt  }
0x43: {  	_ =	shalt  }
0x44: {  	_ =	shalt  }
0x45: {  	_ =	shalt  }
0x46: {  	_ =	shalt  }
0x47: {  	_ =	shalt  }
0x48: {  	_ =	shalt  }
0x49: {  	_ =	shalt  }
0x4a: {  	_ =	shalt  }
0x4b: {  	_ =	shalt  }
0x4c: {  	_ =	shalt  }
0x4d: {  	_ =	shalt  }
0x4e: {  	_ =	shalt  }
0x4f: {  	_ =	shalt  }
0x50: {  	_ =	shalt  }
0x51: {  	_ =	shalt  }
0x52: {  	_ =	shalt  }
0x53: {  	_ =	shalt  }
0x54: {  	_ =	shalt  }
0x55: {  	_ =	shalt  }
0x56: {  	_ =	shalt  }
0x57: {  	_ =	shalt  }
0x58: {  	_ =	shalt  }
0x59: {  	_ =	shalt  }
0x5a: {  	_ =	shalt  }
0x5b: {  	_ =	shalt  }
0x5c: {  	_ =	shalt  }
0x5d: {  	_ =	shalt  }
0x5e: {  	_ =	shalt  }
0x5f: {  	_ =	shalt  }
0x60: {  	_ =	shalt  }
0x61: {  	_ =	shalt  }
0x62: {  	_ =	shalt  }
0x63: {  	_ =	shalt  }
0x64: {  	_ =	shalt  }
0x65: {  	_ =	shalt  }
0x66: {  	_ =	shalt  }
0x67: {  	_ =	shalt  }
0x68: {  	_ =	shalt  }
0x69: {  	_ =	shalt  }
0x6a: {  	_ =	shalt  }
0x6b: {  	_ =	shalt  }
0x6c: {  	_ =	shalt  }
0x6d: {  	_ =	shalt  }
0x6e: {  	_ =	shalt  }
0x6f: {  	_ =	shalt  }
0x70: {  	_ =	shalt  }
0x71: {  	_ =	shalt  }
0x72: {  	_ =	shalt  }
0x73: {  	_ =	shalt  }
0x74: {  	_ =	shalt  }
0x75: {  	_ =	shalt  }
0x76: {  	_ =	shalt  }
0x77: {  	_ =	shalt  }
0x78: {  	_ =	shalt  }
0x79: {  	_ =	shalt  }
0x7a: {  	_ =	shalt  }
0x7b: {  	_ =	shalt  }
0x7c: {  	_ =	shalt  }
0x7d: {  	_ =	shalt  }
0x7e: {  	_ =	shalt  }
0x7f: {  	_ =	shalt  }
0x80: {  	_ =	shalt  }
0x81: {  	_ =	shalt  }
0x82: {  	_ =	shalt  }
0x83: {  	_ =	shalt  }
0x84: {  	_ =	shalt  }
0x85: {  	_ =	shalt  }
0x86: {  	_ =	shalt  }
0x87: {  	_ =	shalt  }
.Lfunc_end0:
.L_simem_size_0:
called_computation_lowered:
.L_overlay_start_0:
0x88: {  	s2 =	sld [smem:$0x3FD9]  }
0x89: {  	s3 =	sld [smem:$0x3FFE];
	_ =	sdelay $0x1  }
0x8a: {  	s1 =	srdreg.scid  }
0x8b: {  	s0 =	sand.u32 $0x1, s1  }
0x8c: {  	s17 =	sshll.u32 s0, $0xA;
	s2 =	sadd.s32 s3, s2  }
0x8d: {  	s2 =	sadd.s32 s2, s17  }
0x8e: {  	[smem:$0x3FC6] =	sst s2  }
0x8f: {  	_ = 	snop  }
0x90: {  	s2 =	sld [smem:$0x3FC9]  }
0x91: {  	s18 =	sld [smem:$0x3FC8];
	(tm) =	ssettm $0x1  }
0x92: {  	s4 =	sld [smem:$0x3FFB];
	_ =	sdelay $0x3  }
0x93: {  	_ =	strace s4  }
0x94: {  	s4 =	sld [smem:$0x3FFC];
	_ =	sdelay $0x3  }
0x95: {  	_ =	strace s4  }
0x96: {  	s4 =	sld [smem:$0x3FFD];
	_ =	sdelay $0x3  }
0x97: {  	_ =	strace s4  }
0x98: {  	_ =	strace $0x8FFFFFFF  }
0x99: {  	s19 =	sld [smem:$0x3FDB];
	_ =	sdelay $0x1  }
0x9a: {  	s5 =	simm.s32 $_scs_section_size  }
0x9b: {  	s6 =	simm.s32 $_size__tile_overlayer_lowered;
	s7 =	simm.s32 $_tile_overlayer_lowered  }
0x9c: {  	s22 =	simm.s32 $0x1BFF;
	s21 =	sshll.u32 s7, $0x1;
	s4 =	sadd.s32 s5, s19  }
0x9d: {  	s8 =	simm.s32 $0x0;
	s20 =	sshll.u32 s6, $0x1;
	s6 =	sadd.s32 s21, s4  }
0x9e: {  	[timem:s8], [sflag:s22] =	dma.local [hbm:s6], s20  }
0x9f: {  	_ =	swait.ge [sflag:s22], s20  }
0xa0: {  	s5 =	ssub.s32 $0x0, s20;
	[sflag:s22] =	ssyncset.done $0x0  }
0xa1: {  	[sflag:s22] =	ssyncadd.s32 s5;
	_ =	sdelay $0x1  }
0xa2: {  	s23 =	simm.s32 $0x1B8B  }
0xa3: {  	_ =	swait.ge [sflag:s23], $0x1  }
0xa4: {  	[sflag:s23] =	ssyncset.done $0x0  }
0xa5: {  	s25 =	simm.s32 $0x1B8E;
	s24 =	sld [smem:$0x3FFE];
	[sflag:s23] =	ssyncadd.s32 $0xFFFFFFFF  }
0xa6: {  	s26 =	simm.s32 $execute0_lowered;
	[smem:$0x3FD2] =	sst s25  }
0xa7: {  	s6 =	sshll.u32 s26, $0x1;
	_ =	strace $0x80000046;
	[dreg:$0x1] =	wrdreg $0xFFFFFFFF  }
0xa8: {  	s28 =	simm.s32 $_size_execute0_lowered;
	s4 =	sadd.s32 s4, s6;
	[dreg:$0x0] =	wrdreg $0x0  }
0xa9: {  	s6 =	sshll.u32 s28, $0x1;
	[dreg:$0x2] =	wrdreg s4  }
0xaa: {  	[dreg:$0x3] =	wrdreg s6  }
0xab: {  	[dreg:$0x4] =	wrdreg $0xC0  }
0xac: {  	_ =	task [dreg:s8], $0x5FFFF  }
0xad: {  	[dreg:$0x1] =	wrdreg $0xFFFFFFFF  }
0xae: {  	[dreg:$0x0] =	wrdreg $0x60  }
0xaf: {  	[dreg:$0x2] =	wrdreg s2  }
0xb0: {  	[dreg:$0x3] =	wrdreg s18  }
0xb1: {  	[dreg:$0x4] =	wrdreg s24  }
0xb2: {  	[dreg:$0x5] =	wrdreg $0x6E800  }
0xb3: {  	[dreg:$0x6] =	wrdreg $0x9  }
0xb4: {  	_ =	task.clear_ibuf [dreg:s8], $0x7FFFF;
	_ =	strace $0x90000046  }
0xb5: {  	s29 =	simm.s32 $0x9;
	_ =	strace $0x80000048  }
0xb6: {  	_ =	swait.ge [sflag:s29], $0x1  }
0xb7: {  	[sflag:s29] =	ssyncadd.s32 $0xFFFFFFFF  }
0xb8: {  	_ =	strace $0x90000048  }
0xb9: {  	_ =	sfence  }
0xba: {  	s30 =	sld [smem:$0x0];
	_ =	sdelay $0x2  }
0xbb: {  	s31 =	sshll.u32 s1, $0xD;
	s1 =	sshrl.u32 s1, $0x2  }
0xbc: {  	s3 =	sand.u32 $0x4000, s31;
	s1 =	sadd.s32 s1, s30  }
0xbd: {  	s0 =	sor.u32 s3, s0;
	s1 =	sshll.u32 s1, $0x11  }
0xbe: {  	s0 =	sor.u32 s1, s0  }
0xbf: {  	s0 =	sadd.s32 $0x8F2B, s0  }
0xc0: {  	[sflag:s0] =	ssyncadd.remote.s32 $0x1  }
0xc1: {  	_ =	sfence.sel $0xFFFF  }
0xc2: {  	[dreg:$0x0] =	wrdreg $0xFFFFFFFF;
	(pc) =	sbr.abs _section_cstart, $3  }
0xc3: {  	[dreg:$0x1] =	wrdreg $0xFFFFFFFF  }
0xc4: {  	_ =	task.clear_ibuf [dreg:s8], $0x2FFFF;
	_ =	strace $0x9FFFFFFF  }
0xc5: {  	(tm) =	ssettm $0x7FFFFFFF  }
tec
execute0_lowered:
.L_overlay_start_1:
0x0: {  	(tag) =	ssettag $0x1  }
0x1: {  	s1 =	rddreg [dreg:$0x0]  }
0x2: {  	s0 =	rddreg [dreg:$0x1]  }
0x3: {  	s2 =	srdreg.scid;
	s12 =	stileid.u32  }
0x4: {  	s5 =	rddreg [dreg:$0x2];
	s2 =	sand.u32 $0x1, s2;
	s11 =	smul.u32 $0x14000, s12  }
0x5: {  	s3 =	rddreg [dreg:$0x3];
	s14 =	smul.u32 $0x50000, s12;
	s4 =	sshll.u32 s2, $0x4  }
0x6: {  	s15 =	smul.u32 $0xA000, s12;
	s16 =	sor.u32 $0x70, s12;
	s6 =	sor.u32 s12, s4  }
0x7: {  	s7 =	ssub.s32 $0x2, s2;
	s4 =	simm.s32 $0x0;
	s8 =	smul.u32 $0x2710, s6  }
0x8: {  	s9 =	sshrl.u32 s7, $0x1;
	[smem:$0x7FF] =	sst s4;
	s6 =	smul.u32 $0x27100, s6  }
0x9: {  	p1 =	sgt.u32 s12, $0xC;
	s7 =	ssub.s32 s7, s9;
	_ =	strace $0x80000047  }
0xa: {  	s7 =	smax.u32 s7, $0x1;
	s6 =	sadd.s32 s1, s6;
	s19 =	sshrl.u32 s8, $0x3  }
0xb: {  	s20 =	sadd.s32 $0x28, s8;
	s23 =	sadd.s32 $0x50, s8;
	[dreg:$0x11] =	wrdreg s7  }
0xc: {  	s10 =	sadd.s32 $0x78, s8;
	s26 =	sadd.s32 $0xA0, s8;
	[dreg:$0x5] =	wrdreg s6  }
0xd: {  	s6 =	sadd.s32 s0, s19;
	s21 =	sshll.u32 s20, $0x4;
	s9 =	sshrl.u32 s20, $0x3  }
0xe: {  	s24 =	sshll.u32 s23, $0x4;
	[dreg:$0x6] =	wrdreg s6;
	s6 =	sadd.s32 s1, s21  }
0xf: {  	s25 =	sshll.u32 s10, $0x4;
	s22 =	sadd.s32 s0, s9;
	[dreg:$0x7] =	wrdreg s6  }
0x10: {  	s31 =	sshll.u32 s26, $0x4;
	s9 =	sadd.s32 s1, s24;
	[dreg:$0x8] =	wrdreg s22  }
0x11: {  	s30 =	sshrl.u32 s10, $0x3;
	s10 =	sadd.s32 s1, s31;
	[dreg:$0x9] =	wrdreg s9  }
0x12: {  	s21 =	sshrl.u32 s15, $0x2;
	s9 =	sadd.s32 s0, s30;
	[dreg:$0xd] =	wrdreg s10  }
0x13: {  	s6 =	sshrl.u32 s23, $0x3;
	s10 =	sadd.s32 s21, s3;
	[dreg:$0xc] =	wrdreg s9  }
0x14: {  	p2 =	seq.s32 s12, $0xF;
	s6 =	sadd.s32 s0, s6;
	[dreg:$0x12] =	wrdreg s10  }
0x15: {  	s9 =	sshrl.u32 s14, $0x2;
	s14 =	sadd.s32 $0x800, s10;
	[dreg:$0xa] =	wrdreg s6  }
0x16: {  	s18 =	smul.u32 $0xA000, s16;
	s15 =	sadd.s32 $0x1000, s10;
	[dreg:$0x1b] =	wrdreg s14  }
0x17: {  	p0 =	sgt.u32 s16, $0x7C;
	s16 =	sadd.s32 $0x1800, s10;
	[dreg:$0x1c] =	wrdreg s15  }
0x18: {  	s23 =	sshrl.u32 s18, $0x2;
	s18 =	sadd.s32 $0x28000, s10;
	[dreg:$0x1d] =	wrdreg s16  }
0x19: {  	s20 =	smul.u32 $0x2710, s12;
	s21 =	sadd.s32 $0x29000, s10;
	[dreg:$0x1f] =	wrdreg s18  }
0x1a: {  	s7 =	sadd.s32 s23, s3;
	s23 =	sadd.s32 $0x2A000, s10;
	[smem:$0x7DE] =	sst s21  }
0x1b: {  	s22 =	smul.u32 $0x27100, s12;
	s12 =	sadd.s32 $0xA1000, s10;
	[smem:$0x7E0] =	sst s23  }
0x1c: {  	[smem:$0x7ED] =	sst s12  }
0x1d: {  	s6 =	sadd.s32 s1, s25;
	[dreg:$0x13] =	wrdreg s7  }
0x1e: {  	s29 =	smul.u32 $0x138800, s2;
	s14 =	sadd.s32 $0xA2000, s10;
	[dreg:$0xb] =	wrdreg s6  }
0x1f: {  	s5 =	sadd.s32 $0x600, s5;
	s15 =	sadd.s32 $0xC8000, s10;
	[smem:$0x7EF] =	sst s14  }
0x20: {  	s13 =	sadd.s32 s11, s29;
	s16 =	sadd.s32 $0xC8800, s10;
	[smem:$0x7F0] =	sst s15  }
0x21: {  	s17 =	sshrl.u32 s29, $0x3;
	s18 =	sadd.s32 $0xC9800, s10;
	[smem:$0x7F1] =	sst s16  }
0x22: {  	s21 =	sadd.s32 $0xF0000, s10;
	s6 =	sshrl.u32 s26, $0x3;
	[smem:$0x7F3] =	sst s18  }
0x23: {  	s19 =	smul.u32 $0x27100, s2;
	[smem:$0x7F5] =	sst s21;
	s6 =	sadd.s32 s0, s6  }
0x24: {  	s23 =	sadd.s32 $0xF1000, s10;
	[dreg:$0xe] =	wrdreg s6;
	s6 =	sshrl.u32 s13, $0x3  }
0x25: {  	s2 =	smul.u32 $0x271000, s2;
	[smem:$0x7F7] =	sst s23;
	s6 =	sadd.s32 s5, s6  }
0x26: {  	s5 =	sadd.s32 s5, s17;
	s17 =	sadd.s32 $0x2000, s10;
	[dreg:$0xf] =	wrdreg s6  }
0x27: {  	s1 =	sadd.s32 s2, s1;
	s5 =	sadd.s32 $0x25800, s5;
	[dreg:$0x1e] =	wrdreg s17  }
0x28: {  	s6 =	sadd.s32 $0x79800, s10;
	s17 =	sadd.s32 $0xC9000, s10;
	[dreg:$0x10] =	wrdreg s5  }
0x29: {  	s5 =	sadd.s32 s20, s19;
	s19 =	sadd.s32 s22, s1;
	[smem:$0x7E9] =	sst s6  }
0x2a: {  	s20 =	sadd.s32 $0x28800, s10;
	s22 =	sadd.s32 $0x29800, s10;
	[smem:$0x7F2] =	sst s17  }
0x2b: {  	s24 =	sadd.s32 $0x168, s5;
	s26 =	sadd.s32 $0x140, s5;
	[smem:$0x7DD] =	sst s20  }
0x2c: {  	s30 =	sadd.s32 $0x118, s5;
	s13 =	sadd.s32 $0xC8, s5;
	[smem:$0x7DF] =	sst s22  }
0x2d: {  	s31 =	sadd.s32 $0xF0, s5;
	s5 =	sadd.s32 $0x79000, s10;
	[dreg:$0x18] =	wrdreg s13  }
0x2e: {  	s20 =	sadd.s32 $0xCA000, s10;
	[smem:$0x7E8] =	sst s5  }
0x2f: {  	s22 =	sadd.s32 $0xF0800, s10;
	[smem:$0x7F4] =	sst s20  }
0x30: {  	s25 =	sshrl.u32 s24, $0x3;
	s24 =	sadd.s32 $0x50000, s10;
	[smem:$0x7F6] =	sst s22  }
0x31: {  	s29 =	sshrl.u32 s26, $0x3;
	s26 =	sadd.s32 $0x51000, s10;
	[smem:$0x7E1] =	sst s24  }
0x32: {  	s2 =	sshrl.u32 s30, $0x3;
	s30 =	sadd.s32 $0x52000, s10;
	[smem:$0x7E3] =	sst s26  }
0x33: {  	s8 =	sshrl.u32 s31, $0x3;
	s31 =	sadd.s32 $0x78000, s10;
	[smem:$0x7E5] =	sst s30  }
0x34: {  	s13 =	sadd.s32 $0xA1800, s10;
	[smem:$0x7E6] =	sst s31  }
0x35: {  	s1 =	sadd.s32 s25, s0;
	[smem:$0x7EE] =	sst s13  }
0x36: {  	s11 =	sadd.s32 s8, s0;
	[dreg:$0x14] =	wrdreg s1  }
0x37: {  	s25 =	sadd.s32 $0x50800, s10;
	[dreg:$0x17] =	wrdreg s11  }
0x38: {  	s8 =	sadd.s32 $0x7A000, s10;
	[smem:$0x7E2] =	sst s25  }
0x39: {  	s28 =	simm.s32 $0x5;
	s24 =	sadd.s32 $0xF1800, s10;
	[smem:$0x7EA] =	sst s8  }
0x3a: {  	s9 =	sadd.s32 s9, s3;
	s26 =	sadd.s32 $0x800, s7;
	[smem:$0x7F8] =	sst s24  }
0x3b: {  	s14 =	simm.s32 $0x2800;
	s30 =	sadd.s32 $0x1800, s7;
	[smem:$0x7FA] =	sst s26  }
0x3c: {  	s15 =	simm.s32 $0x6500;
	s31 =	sadd.s32 $0x2000, s7;
	[smem:$0x7FC] =	sst s30  }
0x3d: {  	s16 =	simm.s32 $0x5000;
	s1 =	sadd.s32 s29, s0;
	[smem:$0x7FD] =	sst s31  }
0x3e: {  	s21 =	simm.s32 $0x6680;
	s29 =	sadd.s32 $0x51800, s10;
	[dreg:$0x15] =	wrdreg s1  }
0x3f: {  	s23 =	simm.s32 $0x1;
	s11 =	sadd.s32 $0xA0800, s10;
	[smem:$0x7E4] =	sst s29  }
0x40: {  	s17 =	simm.s32 $0x6600;
	s25 =	sadd.s32 $0xF2000, s10;
	[smem:$0x7EC] =	sst s11  }
0x41: {  	s22 =	simm.s32 $0x6;
	s1 =	sadd.s32 s2, s0;
	[smem:$0x7F9] =	sst s25  }
0x42: {  	s2 =	sadd.s32 $0x78800, s10;
	s29 =	sadd.s32 $0x1000, s7;
	[dreg:$0x16] =	wrdreg s1  }
.Ltmp0:
0x43: {  	s1 =	sadd.s32 $0x12C000, s3;
	[smem:$0x7E7] =	sst s2;
	(pc) =	sbr.rel .LBB2_1-.Ltmp0, $4  }
0x44: {  	s5 =	simm.s32 $0x0;
	[smem:$0x7FB] =	sst s29;
	s1 =	sshrl.u32 @p2 s1, $0x3  }
0x45: {  	s13 =	simm.s32 $0x6400;
	[dreg:$0x19] =	wrdreg s1;
	s1 =	sshrl.u32 @!p2 s9, $0x3  }
0x46: {  	s24 =	simm.s32 $0x28;
	s9 =	sadd.s32 $0xA0000, s10;
	[dreg:$0x1a] =	wrdreg s1  }
0x47: {  	v0 =	vimm.f32 $0.0e+00;
	s26 =	simm.s32 $0x7;
	s25 =	simm.s32 $0x3;
	[smem:$0x7EB] =	sst s9  }
.LBB2_6:
0x48: {  	[bflag:$0x0] =	sbarrier.arrive $0xFFFF  }
0x49: {  	s2 =	rddreg [dreg:$0x10]  }
0x4a: {  	s1 =	simm.s32 @p2 $0x1FC7;
	s5 =	rddreg [dreg:$0x19]  }
0x4b: {  	[hbm:s2], [sflag:s1] =	dma.local @p2 [spmem:s5], $0x1900  }
0x4c: {  	s1 =	simm.s32 @p2 $0x7  }
0x4d: {  	s2 =	stileid.u32;
	_ =	swait.ge @p2 [sflag:s1], $0x1900  }
0x4e: {  	s2 =	sshll.u32 @!p2 s2, $0x6;
	[sflag:s1] =	ssyncset.done @p2 $0x0;
	s5 =	rddreg [dreg:$0x1a]  }
0x4f: {  	[sflag:s1] =	ssyncadd.s32 @p2 $0xFFFFE700;
	s1 =	sor.u32 @!p2 $0x1C07, s2;
	s2 =	rddreg [dreg:$0xf]  }
0x50: {  	[hbm:s2], [sflag:s1] =	dma.local @!p2 [spmem:s5], $0x2800  }
0x51: {  	s1 =	simm.s32 @!p2 $0x7  }
0x52: {  	_ =	swait.ge @!p2 [sflag:s1], $0x2800  }
0x53: {  	s30 =	sld [smem:$0x7DC];
	_ =	sdelay $0x2  }
0x54: {  	s31 =	rddreg [dreg:$0x11];
	s5 =	sadd.s32 $0x1, s30  }
0x55: {  	p3 =	sne.s32 s5, s31  }
.Ltmp1:
0x56: {  	_ = 	snop;
	(pc) =	sbr.rel @!p3 .LBB2_7-.Ltmp1, $3  }
0x57: {  	_ =	sdelay $0x1  }
0x58: {  	[sflag:s1] =	ssyncset.done @!p2 $0x0  }
0x59: {  	[sflag:s1] =	ssyncadd.s32 @!p2 $0xFFFFD800  }
.LBB2_1:
0x5a: {  	[smem:$0x7DC] =	sst s5  }
0x5b: {  	s1 =	rddreg [dreg:$0x5]  }
0x5c: {  	[tilespmem:s4], [sflag:$0x1] =	stream.linear.gather [hbm4b:s1+s4], $0x1400, $0x38;
	[tilespmem:$0x1A700] =	vst v63  }
0x5d: {  	s6 =	rddreg [dreg:$0x6]  }
0x5e: {  	[tilespmem:s13], [sflag:$0x1] =	stream.linear.gather [hbm4b:s6+s4], $0x28, $0x38;
	[tilespmem:$0x1A700] =	vst v63  }
0x5f: {  	s7 =	rddreg [dreg:$0x7];
	s2 =	simm.s32 $0x1400  }
0x60: {  	[tilespmem:s2], [sflag:$0x2] =	stream.linear.gather [hbm4b:s7+s4], $0x1400, $0x38;
	[tilespmem:$0x1A700] =	vst v63  }
0x61: {  	s8 =	rddreg [dreg:$0x8];
	s9 =	simm.s32 $0x6480  }
0x62: {  	[tilespmem:s9], [sflag:$0x2] =	stream.linear.gather [hbm4b:s8+s4], $0x28, $0x38;
	[tilespmem:$0x1A700] =	vst v63  }
0x63: {  	s10 =	rddreg [dreg:$0x9]  }
0x64: {  	[tilespmem:s14], [sflag:$0x3] =	stream.linear.gather [hbm4b:s10+s4], $0x1400, $0x38;
	[tilespmem:$0x1A700] =	vst v63  }
0x65: {  	s11 =	rddreg [dreg:$0xa]  }
0x66: {  	[tilespmem:s15], [sflag:$0x3] =	stream.linear.gather [hbm4b:s11+s4], $0x28, $0x38;
	[tilespmem:$0x1A700] =	vst v63  }
0x67: {  	s12 =	rddreg [dreg:$0xb];
	s18 =	simm.s32 $0x3C00  }
0x68: {  	[tilespmem:s18], [sflag:$0x4] =	stream.linear.gather [hbm4b:s12+s4], $0x1400, $0x38;
	[tilespmem:$0x1A700] =	vst v63  }
0x69: {  	s20 =	rddreg [dreg:$0xc];
	s29 =	simm.s32 $0x6580  }
0x6a: {  	[tilespmem:s29], [sflag:$0x4] =	stream.linear.gather [hbm4b:s20+s4], $0x28, $0x38;
	[tilespmem:$0x1A700] =	vst v63  }
0x6b: {  	s30 =	rddreg [dreg:$0xd]  }
0x6c: {  	[tilespmem:s16], [sflag:$0x5] =	stream.linear.gather [hbm4b:s30+s4], $0x1400, $0x38;
	[tilespmem:$0x1A700] =	vst v63  }
0x6d: {  	s31 =	rddreg [dreg:$0xe];
	s1 =	simm.s32 $0x0;
	s2 =	simm.s32 $0x200  }
0x6e: {  	[tilespmem:s17], [sflag:$0x5] =	stream.linear.gather [hbm4b:s31+s4], $0x28, $0x38;
	[tilespmem:$0x1A700] =	vst v63  }
.LBB2_2:
0x6f: {  	p3 =	sne.s32 s2, $0x1E00;
	[tilespmem:s1+$0x66F0] =	vst v0  }
0x70: {  	[tilespmem:s1+$0x6680] =	vst v0  }
0x71: {  	[tilespmem:s1+$0x6690] =	vst v0  }
.Ltmp2:
0x72: {  	[tilespmem:s1+$0x66A0] =	vst v0;
	(pc) =	sbr.rel @p3 .LBB2_2-.Ltmp2, $4  }
0x73: {  	[tilespmem:s1+$0x66B0] =	vst v0  }
0x74: {  	[tilespmem:s1+$0x66C0] =	vst v0  }
0x75: {  	[tilespmem:s1+$0x66D0] =	vst v0  }
0x76: {  	[tilespmem:s1+$0x66E0] =	vst v0;
	s1 =	sshra.s32 s2, $0x2;
	s2 =	sadd.s32 $0x200, s2  }
0x77: {  	[tilespmem:s1+$0x66F0] =	vst v0  }
0x78: {  	[tilespmem:s1+$0x6680] =	vst v0  }
0x79: {  	[tilespmem:s1+$0x6690] =	vst v0  }
0x7a: {  	[tilespmem:s1+$0x66A0] =	vst v0  }
0x7b: {  	[tilespmem:s1+$0x66B0] =	vst v0  }
0x7c: {  	[tilespmem:s1+$0x66C0] =	vst v0  }
0x7d: {  	[tilespmem:s1+$0x66D0] =	vst v0;
	s5 =	rddreg [dreg:$0x12]  }
0x7e: {  	[tilespmem:s1+$0x66E0] =	vst v0;
	s6 =	rddreg [dreg:$0x1b]  }
0x7f: {  	[spmem:s5] =	stream.linear.scatter [tilespmem:s21], [sflag:$0x6], $0x800, $0x38;
	[tilespmem:$0x1A700] =	vst v63  }
0x80: {  	s7 =	rddreg [dreg:$0x1c]  }
0x81: {  	[spmem:s6] =	stream.linear.scatter [tilespmem:s21], [sflag:$0x6], $0x800, $0x38;
	[tilespmem:$0x1A700] =	vst v63  }
0x82: {  	s8 =	rddreg [dreg:$0x1d]  }
0x83: {  	[spmem:s7] =	stream.linear.scatter [tilespmem:s21], [sflag:$0x6], $0x800, $0x38;
	[tilespmem:$0x1A700] =	vst v63  }
0x84: {  	s9 =	rddreg [dreg:$0x1e]  }
0x85: {  	[spmem:s8] =	stream.linear.scatter [tilespmem:s21], [sflag:$0x6], $0x800, $0x38;
	[tilespmem:$0x1A700] =	vst v63  }
0x86: {  	s10 =	rddreg [dreg:$0x1f]  }
0x87: {  	[spmem:s9] =	stream.linear.scatter [tilespmem:s21], [sflag:$0x6], $0x800, $0x38;
	[tilespmem:$0x1A700] =	vst v63  }
0x88: {  	s11 =	sld [smem:$0x7DD]  }
0x89: {  	[spmem:s10] =	stream.linear.scatter [tilespmem:s21], [sflag:$0x6], $0x800, $0x38;
	[tilespmem:$0x1A700] =	vst v63  }
0x8a: {  	s12 =	sld [smem:$0x7DE]  }
0x8b: {  	[spmem:s11] =	stream.linear.scatter [tilespmem:s21], [sflag:$0x6], $0x800, $0x38;
	[tilespmem:$0x1A700] =	vst v63  }
0x8c: {  	s18 =	sld [smem:$0x7DF]  }
0x8d: {  	[spmem:s12] =	stream.linear.scatter [tilespmem:s21], [sflag:$0x6], $0x800, $0x38;
	[tilespmem:$0x1A700] =	vst v63  }
0x8e: {  	s20 =	sld [smem:$0x7E0]  }
0x8f: {  	[spmem:s18] =	stream.linear.scatter [tilespmem:s21], [sflag:$0x6], $0x800, $0x38;
	[tilespmem:$0x1A700] =	vst v63  }
0x90: {  	s29 =	sld [smem:$0x7E1]  }
0x91: {  	[spmem:s20] =	stream.linear.scatter [tilespmem:s21], [sflag:$0x6], $0x800, $0x38;
	[tilespmem:$0x1A700] =	vst v63  }
0x92: {  	s2 =	sld [smem:$0x7E2]  }
0x93: {  	[spmem:s29] =	stream.linear.scatter [tilespmem:s21], [sflag:$0x6], $0x800, $0x38;
	[tilespmem:$0x1A700] =	vst v63  }
0x94: {  	s5 =	sld [smem:$0x7E3]  }
0x95: {  	[spmem:s2] =	stream.linear.scatter [tilespmem:s21], [sflag:$0x6], $0x800, $0x38;
	[tilespmem:$0x1A700] =	vst v63  }
0x96: {  	s6 =	sld [smem:$0x7E4]  }
0x97: {  	[spmem:s5] =	stream.linear.scatter [tilespmem:s21], [sflag:$0x6], $0x800, $0x38;
	[tilespmem:$0x1A700] =	vst v63  }
0x98: {  	s7 =	sld [smem:$0x7E5]  }
0x99: {  	[spmem:s6] =	stream.linear.scatter [tilespmem:s21], [sflag:$0x6], $0x800, $0x38;
	[tilespmem:$0x1A700] =	vst v63  }
0x9a: {  	s8 =	sld [smem:$0x7E6]  }
0x9b: {  	[spmem:s7] =	stream.linear.scatter [tilespmem:s21], [sflag:$0x6], $0x800, $0x38;
	[tilespmem:$0x1A700] =	vst v63  }
0x9c: {  	s9 =	sld [smem:$0x7E7]  }
0x9d: {  	[spmem:s8] =	stream.linear.scatter [tilespmem:s21], [sflag:$0x6], $0x800, $0x38;
	[tilespmem:$0x1A700] =	vst v63  }
0x9e: {  	s10 =	sld [smem:$0x7E8]  }
0x9f: {  	[spmem:s9] =	stream.linear.scatter [tilespmem:s21], [sflag:$0x6], $0x800, $0x38;
	[tilespmem:$0x1A700] =	vst v63  }
0xa0: {  	s11 =	sld [smem:$0x7E9]  }
0xa1: {  	[spmem:s10] =	stream.linear.scatter [tilespmem:s21], [sflag:$0x6], $0x800, $0x38;
	[tilespmem:$0x1A700] =	vst v63  }
0xa2: {  	s12 =	sld [smem:$0x7EA]  }
0xa3: {  	[spmem:s11] =	stream.linear.scatter [tilespmem:s21], [sflag:$0x6], $0x800, $0x38;
	[tilespmem:$0x1A700] =	vst v63  }
0xa4: {  	s18 =	sld [smem:$0x7EB]  }
0xa5: {  	[spmem:s12] =	stream.linear.scatter [tilespmem:s21], [sflag:$0x6], $0x800, $0x38;
	[tilespmem:$0x1A700] =	vst v63  }
0xa6: {  	s20 =	sld [smem:$0x7EC]  }
0xa7: {  	[spmem:s18] =	stream.linear.scatter [tilespmem:s21], [sflag:$0x6], $0x800, $0x38;
	[tilespmem:$0x1A700] =	vst v63  }
0xa8: {  	s29 =	sld [smem:$0x7ED]  }
0xa9: {  	[spmem:s20] =	stream.linear.scatter [tilespmem:s21], [sflag:$0x6], $0x800, $0x38;
	[tilespmem:$0x1A700] =	vst v63  }
0xaa: {  	s2 =	sld [smem:$0x7EE]  }
0xab: {  	[spmem:s29] =	stream.linear.scatter [tilespmem:s21], [sflag:$0x6], $0x800, $0x38;
	[tilespmem:$0x1A700] =	vst v63  }
0xac: {  	s5 =	sld [smem:$0x7EF]  }
0xad: {  	[spmem:s2] =	stream.linear.scatter [tilespmem:s21], [sflag:$0x6], $0x800, $0x38;
	[tilespmem:$0x1A700] =	vst v63  }
0xae: {  	s6 =	sld [smem:$0x7F0]  }
0xaf: {  	[spmem:s5] =	stream.linear.scatter [tilespmem:s21], [sflag:$0x6], $0x800, $0x38;
	[tilespmem:$0x1A700] =	vst v63  }
0xb0: {  	s7 =	sld [smem:$0x7F1]  }
0xb1: {  	[spmem:s6] =	stream.linear.scatter [tilespmem:s21], [sflag:$0x6], $0x800, $0x38;
	[tilespmem:$0x1A700] =	vst v63  }
0xb2: {  	s8 =	sld [smem:$0x7F2]  }
0xb3: {  	[spmem:s7] =	stream.linear.scatter [tilespmem:s21], [sflag:$0x6], $0x800, $0x38;
	[tilespmem:$0x1A700] =	vst v63  }
0xb4: {  	s9 =	sld [smem:$0x7F3]  }
0xb5: {  	[spmem:s8] =	stream.linear.scatter [tilespmem:s21], [sflag:$0x6], $0x800, $0x38;
	[tilespmem:$0x1A700] =	vst v63  }
0xb6: {  	s10 =	sld [smem:$0x7F4]  }
0xb7: {  	[spmem:s9] =	stream.linear.scatter [tilespmem:s21], [sflag:$0x6], $0x800, $0x38;
	[tilespmem:$0x1A700] =	vst v63  }
0xb8: {  	s11 =	sld [smem:$0x7F5]  }
0xb9: {  	[spmem:s10] =	stream.linear.scatter [tilespmem:s21], [sflag:$0x6], $0x800, $0x38;
	[tilespmem:$0x1A700] =	vst v63  }
0xba: {  	s12 =	sld [smem:$0x7F6]  }
0xbb: {  	[spmem:s11] =	stream.linear.scatter [tilespmem:s21], [sflag:$0x6], $0x800, $0x38;
	[tilespmem:$0x1A700] =	vst v63  }
0xbc: {  	s18 =	sld [smem:$0x7F7]  }
0xbd: {  	[spmem:s12] =	stream.linear.scatter [tilespmem:s21], [sflag:$0x6], $0x800, $0x38;
	[tilespmem:$0x1A700] =	vst v63  }
0xbe: {  	s20 =	sld [smem:$0x7F8]  }
0xbf: {  	[spmem:s18] =	stream.linear.scatter [tilespmem:s21], [sflag:$0x6], $0x800, $0x38;
	[tilespmem:$0x1A700] =	vst v63  }
0xc0: {  	s29 =	sld [smem:$0x7F9]  }
0xc1: {  	[spmem:s20] =	stream.linear.scatter [tilespmem:s21], [sflag:$0x6], $0x800, $0x38;
	[tilespmem:$0x1A700] =	vst v63  }
0xc2: {  	_ = 	snop  }
0xc3: {  	[spmem:s29] =	stream.linear.scatter [tilespmem:s21], [sflag:$0x6], $0x800, $0x38;
	[tilespmem:$0x1A700] =	vst v63  }
0xc4: {  	s1 =	simm.s32 @!p0 $0x6680;
	s2 =	rddreg [dreg:$0x13]  }
0xc5: {  	[spmem:s2] =	stream.linear.scatter @!p0 [tilespmem:s1], [sflag:$0x6], $0x800, $0x38;
	[tilespmem:$0x1A700] =	vst v63  }
0xc6: {  	s2 =	sld [smem:$0x7FA];
	_ =	sdelay $0x2  }
0xc7: {  	[spmem:s2] =	stream.linear.scatter @!p0 [tilespmem:s1], [sflag:$0x6], $0x800, $0x38;
	[tilespmem:$0x1A700] =	vst v63  }
0xc8: {  	s2 =	sld [smem:$0x7FB];
	_ =	sdelay $0x2  }
0xc9: {  	[spmem:s2] =	stream.linear.scatter @!p0 [tilespmem:s1], [sflag:$0x6], $0x800, $0x38;
	[tilespmem:$0x1A700] =	vst v63  }
0xca: {  	s2 =	sld [smem:$0x7FC];
	_ =	sdelay $0x2  }
0xcb: {  	[spmem:s2] =	stream.linear.scatter @!p0 [tilespmem:s1], [sflag:$0x6], $0x800, $0x38;
	[tilespmem:$0x1A700] =	vst v63  }
0xcc: {  	s2 =	sld [smem:$0x7FD];
	_ =	sdelay $0x2  }
0xcd: {  	[spmem:s2] =	stream.linear.scatter @!p0 [tilespmem:s1], [sflag:$0x6], $0x800, $0x38;
	[tilespmem:$0x1A700] =	vst v63  }
0xce: {  	_ =	swait.ge [sflag:s22], $0x800  }
0xcf: {  	[sflag:s22] =	ssyncset.done $0x0  }
0xd0: {  	[sflag:s22] =	ssyncadd.s32 $0xFFFFF800  }
0xd1: {  	_ =	swait.ge [sflag:s22], $0x800  }
0xd2: {  	[sflag:s22] =	ssyncset.done $0x0  }
0xd3: {  	[sflag:s22] =	ssyncadd.s32 $0xFFFFF800  }
0xd4: {  	_ =	swait.ge [sflag:s22], $0x800  }
0xd5: {  	[sflag:s22] =	ssyncset.done $0x0  }
0xd6: {  	[sflag:s22] =	ssyncadd.s32 $0xFFFFF800  }
0xd7: {  	_ =	swait.ge [sflag:s22], $0x800  }
0xd8: {  	[sflag:s22] =	ssyncset.done $0x0  }
0xd9: {  	[sflag:s22] =	ssyncadd.s32 $0xFFFFF800  }
0xda: {  	_ =	swait.ge [sflag:s22], $0x800  }
0xdb: {  	[sflag:s22] =	ssyncset.done $0x0  }
0xdc: {  	[sflag:s22] =	ssyncadd.s32 $0xFFFFF800  }
0xdd: {  	_ =	swait.ge [sflag:s22], $0x800  }
0xde: {  	[sflag:s22] =	ssyncset.done $0x0  }
0xdf: {  	[sflag:s22] =	ssyncadd.s32 $0xFFFFF800  }
0xe0: {  	_ =	swait.ge [sflag:s22], $0x800  }
0xe1: {  	[sflag:s22] =	ssyncset.done $0x0  }
0xe2: {  	[sflag:s22] =	ssyncadd.s32 $0xFFFFF800  }
0xe3: {  	_ =	swait.ge [sflag:s22], $0x800  }
0xe4: {  	[sflag:s22] =	ssyncset.done $0x0  }
0xe5: {  	[sflag:s22] =	ssyncadd.s32 $0xFFFFF800  }
0xe6: {  	_ =	swait.ge [sflag:s22], $0x800  }
0xe7: {  	[sflag:s22] =	ssyncset.done $0x0  }
0xe8: {  	[sflag:s22] =	ssyncadd.s32 $0xFFFFF800  }
0xe9: {  	_ =	swait.ge [sflag:s22], $0x800  }
0xea: {  	[sflag:s22] =	ssyncset.done $0x0  }
0xeb: {  	[sflag:s22] =	ssyncadd.s32 $0xFFFFF800  }
0xec: {  	_ =	swait.ge [sflag:s22], $0x800  }
0xed: {  	[sflag:s22] =	ssyncset.done $0x0  }
0xee: {  	[sflag:s22] =	ssyncadd.s32 $0xFFFFF800  }
0xef: {  	_ =	swait.ge [sflag:s22], $0x800  }
0xf0: {  	[sflag:s22] =	ssyncset.done $0x0  }
0xf1: {  	[sflag:s22] =	ssyncadd.s32 $0xFFFFF800  }
0xf2: {  	_ =	swait.ge [sflag:s22], $0x800  }
0xf3: {  	[sflag:s22] =	ssyncset.done $0x0  }
0xf4: {  	[sflag:s22] =	ssyncadd.s32 $0xFFFFF800  }
0xf5: {  	_ =	swait.ge [sflag:s22], $0x800  }
0xf6: {  	[sflag:s22] =	ssyncset.done $0x0  }
0xf7: {  	[sflag:s22] =	ssyncadd.s32 $0xFFFFF800  }
0xf8: {  	_ =	swait.ge [sflag:s22], $0x800  }
0xf9: {  	[sflag:s22] =	ssyncset.done $0x0  }
0xfa: {  	[sflag:s22] =	ssyncadd.s32 $0xFFFFF800  }
0xfb: {  	_ =	swait.ge [sflag:s22], $0x800  }
0xfc: {  	[sflag:s22] =	ssyncset.done $0x0  }
0xfd: {  	[sflag:s22] =	ssyncadd.s32 $0xFFFFF800  }
0xfe: {  	_ =	swait.ge [sflag:s22], $0x800  }
0xff: {  	[sflag:s22] =	ssyncset.done $0x0  }
0x100: {  	[sflag:s22] =	ssyncadd.s32 $0xFFFFF800  }
0x101: {  	_ =	swait.ge [sflag:s22], $0x800  }
0x102: {  	[sflag:s22] =	ssyncset.done $0x0  }
0x103: {  	[sflag:s22] =	ssyncadd.s32 $0xFFFFF800  }
0x104: {  	_ =	swait.ge [sflag:s22], $0x800  }
0x105: {  	[sflag:s22] =	ssyncset.done $0x0  }
0x106: {  	[sflag:s22] =	ssyncadd.s32 $0xFFFFF800  }
0x107: {  	_ =	swait.ge [sflag:s22], $0x800  }
0x108: {  	[sflag:s22] =	ssyncset.done $0x0  }
0x109: {  	[sflag:s22] =	ssyncadd.s32 $0xFFFFF800  }
0x10a: {  	_ =	swait.ge [sflag:s22], $0x800  }
0x10b: {  	[sflag:s22] =	ssyncset.done $0x0  }
0x10c: {  	[sflag:s22] =	ssyncadd.s32 $0xFFFFF800  }
0x10d: {  	_ =	swait.ge [sflag:s22], $0x800  }
0x10e: {  	[sflag:s22] =	ssyncset.done $0x0  }
0x10f: {  	[sflag:s22] =	ssyncadd.s32 $0xFFFFF800  }
0x110: {  	_ =	swait.ge [sflag:s22], $0x800  }
0x111: {  	[sflag:s22] =	ssyncset.done $0x0  }
0x112: {  	[sflag:s22] =	ssyncadd.s32 $0xFFFFF800  }
0x113: {  	_ =	swait.ge [sflag:s22], $0x800  }
0x114: {  	[sflag:s22] =	ssyncset.done $0x0  }
0x115: {  	[sflag:s22] =	ssyncadd.s32 $0xFFFFF800  }
0x116: {  	_ =	swait.ge [sflag:s22], $0x800  }
0x117: {  	[sflag:s22] =	ssyncset.done $0x0  }
0x118: {  	[sflag:s22] =	ssyncadd.s32 $0xFFFFF800  }
0x119: {  	_ =	swait.ge [sflag:s22], $0x800  }
0x11a: {  	[sflag:s22] =	ssyncset.done $0x0  }
0x11b: {  	[sflag:s22] =	ssyncadd.s32 $0xFFFFF800  }
0x11c: {  	_ =	swait.ge [sflag:s22], $0x800  }
0x11d: {  	[sflag:s22] =	ssyncset.done $0x0  }
0x11e: {  	[sflag:s22] =	ssyncadd.s32 $0xFFFFF800  }
0x11f: {  	_ =	swait.ge [sflag:s22], $0x800  }
0x120: {  	[sflag:s22] =	ssyncset.done $0x0  }
0x121: {  	[sflag:s22] =	ssyncadd.s32 $0xFFFFF800  }
0x122: {  	_ =	swait.ge [sflag:s22], $0x800  }
0x123: {  	[sflag:s22] =	ssyncset.done $0x0  }
0x124: {  	[sflag:s22] =	ssyncadd.s32 $0xFFFFF800  }
0x125: {  	_ =	swait.ge [sflag:s22], $0x800  }
0x126: {  	[sflag:s22] =	ssyncset.done $0x0  }
0x127: {  	[sflag:s22] =	ssyncadd.s32 $0xFFFFF800  }
0x128: {  	_ =	swait.ge [sflag:s22], $0x800  }
0x129: {  	[sflag:s22] =	ssyncset.done $0x0  }
0x12a: {  	[sflag:s22] =	ssyncadd.s32 $0xFFFFF800  }
0x12b: {  	_ =	swait.ge [sflag:s22], $0x800  }
0x12c: {  	[sflag:s22] =	ssyncset.done $0x0  }
0x12d: {  	[sflag:s22] =	ssyncadd.s32 $0xFFFFF800  }
0x12e: {  	_ =	swait.ge [sflag:s22], $0x800  }
0x12f: {  	[sflag:s22] =	ssyncset.done $0x0  }
0x130: {  	[sflag:s22] =	ssyncadd.s32 $0xFFFFF800  }
0x131: {  	_ =	swait.ge [sflag:s22], $0x800  }
0x132: {  	[sflag:s22] =	ssyncset.done $0x0  }
0x133: {  	[sflag:s22] =	ssyncadd.s32 $0xFFFFF800  }
0x134: {  	_ =	swait.ge [sflag:s22], $0x800  }
0x135: {  	[sflag:s22] =	ssyncset.done $0x0  }
0x136: {  	s1 =	simm.s32 @!p1 $0x6;
	[sflag:s22] =	ssyncadd.s32 $0xFFFFF800  }
0x137: {  	_ =	swait.ge @!p1 [sflag:s1], $0x800  }
0x138: {  	[sflag:s1] =	ssyncset.done @!p1 $0x0  }
0x139: {  	[sflag:s1] =	ssyncadd.s32 @!p1 $0xFFFFF800  }
0x13a: {  	_ =	swait.ge @!p1 [sflag:s1], $0x800  }
0x13b: {  	[sflag:s1] =	ssyncset.done @!p1 $0x0  }
0x13c: {  	[sflag:s1] =	ssyncadd.s32 @!p1 $0xFFFFF800  }
0x13d: {  	_ =	swait.ge @!p1 [sflag:s1], $0x800  }
0x13e: {  	[sflag:s1] =	ssyncset.done @!p1 $0x0  }
0x13f: {  	[sflag:s1] =	ssyncadd.s32 @!p1 $0xFFFFF800  }
0x140: {  	_ =	swait.ge @!p1 [sflag:s1], $0x800  }
0x141: {  	[sflag:s1] =	ssyncset.done @!p1 $0x0  }
0x142: {  	[sflag:s1] =	ssyncadd.s32 @!p1 $0xFFFFF800  }
0x143: {  	_ =	swait.ge @!p1 [sflag:s1], $0x800  }
0x144: {  	[sflag:s1] =	ssyncset.done @!p1 $0x0  }
0x145: {  	[sflag:s1] =	ssyncadd.s32 @!p1 $0xFFFFF800  }
0x146: {  	[bflag:$0x0] =	sbarrier.arrive $0xFFFF  }
0x147: {  	s31 =	rddreg [dreg:$0x18]  }
0x148: {  	s1 =	rddreg [dreg:$0x17]  }
0x149: {  	s2 =	rddreg [dreg:$0x16]  }
0x14a: {  	s5 =	rddreg [dreg:$0x15]  }
0x14b: {  	s30 =	simm.s32 $0x0;
	s6 =	rddreg [dreg:$0x14]  }
.LBB2_4:
0x14c: {  	_ =	swait.ge [sflag:s23], $0x1400  }
0x14d: {  	[sflag:s23] =	ssyncset.done $0x0  }
0x14e: {  	[sflag:s23] =	ssyncadd.s32 $0xFFFFEC00  }
0x14f: {  	_ =	swait.ge [sflag:s23], $0x28  }
0x150: {  	[sflag:s23] =	ssyncset.done $0x0  }
0x151: {  	[sflag:s23] =	ssyncadd.s32 $0xFFFFFFD8  }
0x152: {  	[spmem:s3] =	stream.indirect.scatter.add.f32 [tilespmem:s4], [sflag:$0x7], $0x80, s13, s24, $0xb8;
	[tilespmem:$0x1A700] =	vst v63  }
0x153: {  	_ =	swait.ge [sflag:s26], $0x1400  }
0x154: {  	p3 =	seq.s32 s30, $0x26480;
	[sflag:s26] =	ssyncset.done $0x0  }
0x155: {  	s7 =	simm.s32 @p3 $0x2;
	[sflag:s26] =	ssyncadd.s32 $0xFFFFEC00  }
0x156: {  	_ =	swait.ge @p3 [sflag:s7], $0x1400  }
0x157: {  	[sflag:s7] =	ssyncset.done @p3 $0x0  }
0x158: {  	[sflag:s7] =	ssyncadd.s32 @p3 $0xFFFFEC00  }
0x159: {  	_ =	swait.ge @p3 [sflag:s7], $0x28  }
0x15a: {  	s8 =	simm.s32 @p3 $0x28;
	s20 =	simm.s32 @p3 $0x1400;
	[sflag:s7] =	ssyncset.done @p3 $0x0  }
0x15b: {  	s9 =	simm.s32 @p3 $0x7;
	[sflag:s7] =	ssyncadd.s32 @p3 $0xFFFFFFD8;
	s7 =	simm.s32 @p3 $0x6480  }
0x15c: {  	[spmem:s3] =	stream.indirect.scatter.add.f32 @p3 [tilespmem:s20], [sflag:$0x7], $0x80, s7, s8, $0xb8;
	[tilespmem:$0x1A700] =	vst v63  }
0x15d: {  	_ =	swait.ge @p3 [sflag:s9], $0x1400  }
0x15e: {  	s20 =	sadd.s32 @!p3 s30, s19;
	[sflag:s9] =	ssyncset.done @p3 $0x0  }
0x15f: {  	s7 =	simm.s32 @!p3 $0x0;
	s10 =	sadd.s32 @!p3 $0xC80, s20;
	[sflag:s9] =	ssyncadd.s32 @p3 $0xFFFFEC00  }
0x160: {  	[tilespmem:s7], [sflag:$0x1] =	stream.linear.gather @!p3 [hbm4b:s10+s7], $0x1400, $0x38;
	[tilespmem:$0x1A700] =	vst v63  }
0x161: {  	s10 =	sshrl.u32 @!p3 s31, $0x3  }
0x162: {  	s11 =	simm.s32 @!p3 $0x6400;
	s10 =	sadd.s32 @!p3 s0, s10  }
0x163: {  	[tilespmem:s11], [sflag:$0x1] =	stream.linear.gather @!p3 [hbm4b:s10+s7], $0x28, $0x38;
	[tilespmem:$0x1A700] =	vst v63  }
0x164: {  	s10 =	simm.s32 @!p3 $0x2  }
0x165: {  	_ =	swait.ge @!p3 [sflag:s10], $0x1400  }
0x166: {  	[sflag:s10] =	ssyncset.done @!p3 $0x0  }
0x167: {  	[sflag:s10] =	ssyncadd.s32 @!p3 $0xFFFFEC00  }
0x168: {  	_ =	swait.ge @!p3 [sflag:s10], $0x28  }
0x169: {  	s12 =	simm.s32 @!p3 $0x1400;
	s18 =	simm.s32 @!p3 $0x7;
	[sflag:s10] =	ssyncset.done @!p3 $0x0  }
0x16a: {  	s11 =	simm.s32 @!p3 $0x6480;
	[sflag:s10] =	ssyncadd.s32 @!p3 $0xFFFFFFD8;
	s10 =	simm.s32 @!p3 $0x28  }
0x16b: {  	[spmem:s3] =	stream.indirect.scatter.add.f32 @!p3 [tilespmem:s12], [sflag:$0x7], $0x80, s11, s10, $0xb8;
	[tilespmem:$0x1A700] =	vst v63  }
0x16c: {  	_ =	swait.ge @!p3 [sflag:s18], $0x1400  }
0x16d: {  	[sflag:s18] =	ssyncset.done @!p3 $0x0  }
0x16e: {  	s29 =	sadd.s32 @!p3 $0xF00, s20;
	[sflag:s18] =	ssyncadd.s32 @!p3 $0xFFFFEC00  }
0x16f: {  	[tilespmem:s12], [sflag:$0x2] =	stream.linear.gather @!p3 [hbm4b:s29+s7], $0x1400, $0x38;
	[tilespmem:$0x1A700] =	vst v63  }
0x170: {  	_ = 	snop  }
0x171: {  	[tilespmem:s11], [sflag:$0x2] =	stream.linear.gather @!p3 [hbm4b:s1+s7], $0x28, $0x38;
	[tilespmem:$0x1A700] =	vst v63  }
0x172: {  	_ =	swait.ge [sflag:s25], $0x1400  }
0x173: {  	[sflag:s25] =	ssyncset.done $0x0  }
0x174: {  	[sflag:s25] =	ssyncadd.s32 $0xFFFFEC00  }
0x175: {  	_ =	swait.ge [sflag:s25], $0x28  }
0x176: {  	[sflag:s25] =	ssyncset.done $0x0  }
0x177: {  	[sflag:s25] =	ssyncadd.s32 $0xFFFFFFD8  }
0x178: {  	[spmem:s3] =	stream.indirect.scatter.add.f32 [tilespmem:s14], [sflag:$0x7], $0x80, s15, s24, $0xb8;
	[tilespmem:$0x1A700] =	vst v63  }
0x179: {  	_ =	swait.ge [sflag:s26], $0x1400  }
0x17a: {  	[sflag:s26] =	ssyncset.done $0x0  }
0x17b: {  	s11 =	simm.s32 @p3 $0x4;
	[sflag:s26] =	ssyncadd.s32 $0xFFFFEC00  }
0x17c: {  	_ =	swait.ge @p3 [sflag:s11], $0x1400  }
0x17d: {  	[sflag:s11] =	ssyncset.done @p3 $0x0  }
0x17e: {  	[sflag:s11] =	ssyncadd.s32 @p3 $0xFFFFEC00  }
0x17f: {  	_ =	swait.ge @p3 [sflag:s11], $0x28  }
0x180: {  	[sflag:s11] =	ssyncset.done @p3 $0x0  }
0x181: {  	s12 =	simm.s32 @p3 $0x3C00;
	[sflag:s11] =	ssyncadd.s32 @p3 $0xFFFFFFD8;
	s11 =	simm.s32 @p3 $0x6580  }
0x182: {  	[spmem:s3] =	stream.indirect.scatter.add.f32 @p3 [tilespmem:s12], [sflag:$0x7], $0x80, s11, s8, $0xb8;
	[tilespmem:$0x1A700] =	vst v63  }
0x183: {  	_ =	swait.ge @p3 [sflag:s9], $0x1400  }
0x184: {  	[sflag:s9] =	ssyncset.done @p3 $0x0  }
0x185: {  	s8 =	sadd.s32 @!p3 $0x1180, s20;
	[sflag:s9] =	ssyncadd.s32 @p3 $0xFFFFEC00;
	s9 =	simm.s32 @!p3 $0x2800  }
0x186: {  	[tilespmem:s9], [sflag:$0x3] =	stream.linear.gather @!p3 [hbm4b:s8+s7], $0x1400, $0x38;
	[tilespmem:$0x1A700] =	vst v63  }
0x187: {  	s8 =	simm.s32 @!p3 $0x6500  }
0x188: {  	[tilespmem:s8], [sflag:$0x3] =	stream.linear.gather @!p3 [hbm4b:s2+s7], $0x28, $0x38;
	[tilespmem:$0x1A700] =	vst v63  }
0x189: {  	s8 =	simm.s32 @!p3 $0x4  }
0x18a: {  	_ =	swait.ge @!p3 [sflag:s8], $0x1400  }
0x18b: {  	[sflag:s8] =	ssyncset.done @!p3 $0x0  }
0x18c: {  	[sflag:s8] =	ssyncadd.s32 @!p3 $0xFFFFEC00  }
0x18d: {  	_ =	swait.ge @!p3 [sflag:s8], $0x28  }
0x18e: {  	[sflag:s8] =	ssyncset.done @!p3 $0x0  }
0x18f: {  	s9 =	simm.s32 @!p3 $0x3C00;
	[sflag:s8] =	ssyncadd.s32 @!p3 $0xFFFFFFD8;
	s8 =	simm.s32 @!p3 $0x6580  }
0x190: {  	[spmem:s3] =	stream.indirect.scatter.add.f32 @!p3 [tilespmem:s9], [sflag:$0x7], $0x80, s8, s10, $0xb8;
	[tilespmem:$0x1A700] =	vst v63  }
0x191: {  	_ =	swait.ge @!p3 [sflag:s18], $0x1400  }
0x192: {  	[sflag:s18] =	ssyncset.done @!p3 $0x0  }
0x193: {  	s10 =	sadd.s32 @!p3 $0x1400, s20;
	[sflag:s18] =	ssyncadd.s32 @!p3 $0xFFFFEC00  }
0x194: {  	[tilespmem:s9], [sflag:$0x4] =	stream.linear.gather @!p3 [hbm4b:s10+s7], $0x1400, $0x38;
	[tilespmem:$0x1A700] =	vst v63  }
0x195: {  	_ = 	snop  }
0x196: {  	[tilespmem:s8], [sflag:$0x4] =	stream.linear.gather @!p3 [hbm4b:s5+s7], $0x28, $0x38;
	[tilespmem:$0x1A700] =	vst v63  }
0x197: {  	_ =	swait.ge [sflag:s28], $0x1400  }
0x198: {  	[sflag:s28] =	ssyncset.done $0x0  }
0x199: {  	[sflag:s28] =	ssyncadd.s32 $0xFFFFEC00  }
0x19a: {  	_ =	swait.ge [sflag:s28], $0x28  }
0x19b: {  	[sflag:s28] =	ssyncset.done $0x0  }
.Ltmp3:
0x19c: {  	[sflag:s28] =	ssyncadd.s32 $0xFFFFFFD8;
	(pc) =	sbr.rel @p3 .LBB2_6-.Ltmp3, $4  }
0x19d: {  	[spmem:s3] =	stream.indirect.scatter.add.f32 [tilespmem:s16], [sflag:$0x7], $0x80, s17, s24, $0xb8;
	[tilespmem:$0x1A700] =	vst v63  }
0x19e: {  	_ =	swait.ge [sflag:s26], $0x1400  }
0x19f: {  	[sflag:s26] =	ssyncset.done $0x0  }
0x1a0: {  	[sflag:s26] =	ssyncadd.s32 $0xFFFFEC00  }
0x1a1: {  	s7 =	sadd.s32 s30, s19  }
.Ltmp4:
0x1a2: {  	s7 =	sadd.s32 $0x1680, s7;
	(pc) =	sbr.rel .LBB2_4-.Ltmp4, $4  }
0x1a3: {  	[tilespmem:s16], [sflag:$0x5] =	stream.linear.gather [hbm4b:s7+s4], $0x1400, $0x38;
	[tilespmem:$0x1A700] =	vst v63  }
0x1a4: {  	s30 =	sadd.s32 $0xC80, s30;
	s5 =	sadd.s32 $0x19, s5;
	s2 =	sadd.s32 $0x19, s2  }
0x1a5: {  	[tilespmem:s17], [sflag:$0x5] =	stream.linear.gather [hbm4b:s6+s4], $0x28, $0x38;
	[tilespmem:$0x1A700] =	vst v63  }
0x1a6: {  	s1 =	sadd.s32 $0x19, s1;
	s31 =	sadd.s32 $0xC8, s31;
	s6 =	sadd.s32 $0x19, s6  }
.LBB2_7:
0x1a7: {  	_ =	sfence.sel $0x180000  }
0x1a8: {  	[bflag:$0x0] =	sbarrier.arrive $0xFFFF  }
0x1a9: {  	_ =	strace $0x90000047  }
0x1aa: {  	s0 =	stileid.u32;
	[bflag:$0x2] =	sbarrier.arrive $0xFFFF  }
0x1ab: {  	p0 =	sne.s32 s0, $0x0;
	s0 =	rddreg [dreg:$0x4]  }
0x1ac: {  	s0 =	sadd.s32 @!p0 $0x100000, s0  }
0x1ad: {  	[sflag:s0] =	ssyncadd.tile.s32 @!p0 $0x1;
	_ =	shalt  }
.Lfunc_end2:
_tile_overlayer_lowered:
.L_overlay_start_2:
0x1ae: {  	(tag) =	ssettag $0x2  }
0x1af: {  	s0 =	rddreg [dreg:$0x0];
	s2 =	stileid.u32  }
0x1b0: {  	s1 =	rddreg [dreg:$0x1];
	p0 =	sne.s32 s2, $0x0  }
0x1b1: {  	s3 =	rddreg [dreg:$0x2];
	[bflag:$0x3] =	sbarrier.arrive $0xFFFF;
	s2 =	simm.s32 @!p0 $0x1C07  }
0x1b2: {  	[timem:s3], [sflag:s2] =	dma.local @!p0 [hbm:s0], s1  }
0x1b3: {  	s0 =	simm.s32 @!p0 $0x7  }
0x1b4: {  	_ =	swait.ge @!p0 [sflag:s0], s1  }
0x1b5: {  	s1 =	ssub.s32 @!p0 $0x0, s1;
	[sflag:s0] =	ssyncset.done @!p0 $0x0  }
0x1b6: {  	[sflag:s0] =	ssyncadd.s32 @!p0 s1  }
0x1b7: {  	[bflag:$0x3] =	sbarrier.arrive $0xFFFF  }
0x1b8: {  	_ =	shalt  }

</sc_bundles>
